<compile_context>
chip_gen: v7x
topology: tpu7x:2x2x1
jax: 0.10.2.dev20260603
libtpu: 0.0.44.dev20260713+nightly
codegen_flags: <defaults>
</compile_context>

<pallas_src>
import functools

import jax
import jax.numpy as jnp
from jax import lax
from jax.experimental import pallas as pl
from jax.experimental.pallas import tpu as pltpu
from jax.experimental.pallas import tpu_sc as plsc

_F32 = jnp.float32
_NC = 2
_NS = 16
_NW = _NC * _NS
_CHUNK = 128
_EDGE_BLK = 2000


def _sc_mesh():
    return plsc.VectorSubcoreMesh(
        core_axis_name="c", subcore_axis_name="s",
        num_cores=_NC, num_subcores=_NS)



def _sc_gather(u, v, ii, jj):
    e = ii.shape[0]
    nchunks = e // _CHUNK
    per_w = -(-nchunks // _NW)
    d = u.shape[1]

    @functools.partial(
        pl.kernel,
        out_type=[jax.ShapeDtypeStruct((e, d), _F32),
                  jax.ShapeDtypeStruct((e, d), _F32)],
        mesh=_sc_mesh(),
        scratch_types=[
            pltpu.VMEM((_CHUNK,), jnp.int32),
            pltpu.VMEM((_CHUNK,), jnp.int32),
            pltpu.VMEM((_CHUNK, d), _F32),
            pltpu.VMEM((_CHUNK, d), _F32),
            pltpu.SemaphoreType.DMA,
            pltpu.SemaphoreType.DMA,
        ],
    )
    def run(u_hbm, v_hbm, ii_hbm, jj_hbm, g1_hbm, g2_hbm,
            i1_v, i2_v, r1_v, r2_v, s1, s2):
        wid = lax.axis_index("s") * _NC + lax.axis_index("c")

        def body(t, carry):
            c = wid + t * _NW

            @pl.when(c < nchunks)
            def _():
                base = c * _CHUNK
                pltpu.sync_copy(ii_hbm.at[pl.ds(base, _CHUNK)], i1_v)
                pltpu.sync_copy(jj_hbm.at[pl.ds(base, _CHUNK)], i2_v)
                cp1 = pltpu.async_copy(u_hbm.at[i1_v], r1_v, s1)
                cp2 = pltpu.async_copy(v_hbm.at[i2_v], r2_v, s2)
                cp1.wait()
                cp2.wait()
                pltpu.sync_copy(r1_v, g1_hbm.at[pl.ds(base, _CHUNK)])
                pltpu.sync_copy(r2_v, g2_hbm.at[pl.ds(base, _CHUNK)])
            return carry

        lax.fori_loop(0, per_w, body, 0)

    return run(u, v, ii, jj)


def _sc_scatter(y, ii, jj, zeros_n):
    e, d = y.shape
    n = zeros_n.shape[0]
    nchunks = e // _CHUNK
    per_t = -(-nchunks // _NS)
    rows_pt = (n // _NS) // 8 * 8
    rem = n - rows_pt * _NS

    @functools.partial(
        pl.kernel,
        out_type=[jax.ShapeDtypeStruct((n, d), _F32),
                  jax.ShapeDtypeStruct((n, d), _F32)],
        mesh=_sc_mesh(),
        scratch_types=[
            pltpu.VMEM((_CHUNK,), jnp.int32),
            pltpu.VMEM((_CHUNK, d), _F32),
            pltpu.VMEM_SHARED((n, d), _F32),
        ],
    )
    def run(y_hbm, ii_hbm, jj_hbm, z_hbm, si_hbm, sj_hbm,
            idx_v, rows_v, acc_sh):
        cid = lax.axis_index("c")
        sid = lax.axis_index("s")
        r0 = sid * rows_pt
        pltpu.sync_copy(z_hbm.at[pl.ds(r0, rows_pt)],
                        acc_sh.at[pl.ds(r0, rows_pt)])
        if rem:
            @pl.when(sid == 0)
            def _():
                pltpu.sync_copy(z_hbm.at[pl.ds(rows_pt * _NS, rem)],
                                acc_sh.at[pl.ds(rows_pt * _NS, rem)])
        plsc.subcore_barrier()

        def accumulate(idx_hbm):
            def body(t, carry):
                c = sid + t * _NS

                @pl.when(c < nchunks)
                def _():
                    base = c * _CHUNK
                    pltpu.sync_copy(idx_hbm.at[pl.ds(base, _CHUNK)], idx_v)
                    pltpu.sync_copy(y_hbm.at[pl.ds(base, _CHUNK)], rows_v)
                    pltpu.sync_copy(rows_v, acc_sh.at[idx_v], add=True)
                return carry

            lax.fori_loop(0, per_t, body, 0)

        @pl.when(cid == 0)
        def _():
            accumulate(ii_hbm)

        @pl.when(cid == 1)
        def _():
            accumulate(jj_hbm)

        plsc.subcore_barrier()

        @pl.when(cid == 0)
        def _():
            pltpu.sync_copy(acc_sh.at[pl.ds(r0, rows_pt)],
                            si_hbm.at[pl.ds(r0, rows_pt)])
            if rem:
                @pl.when(sid == 0)
                def _():
                    pltpu.sync_copy(acc_sh.at[pl.ds(rows_pt * _NS, rem)],
                                    si_hbm.at[pl.ds(rows_pt * _NS, rem)])

        @pl.when(cid == 1)
        def _():
            pltpu.sync_copy(acc_sh.at[pl.ds(r0, rows_pt)],
                            sj_hbm.at[pl.ds(r0, rows_pt)])
            if rem:
                @pl.when(sid == 0)
                def _():
                    pltpu.sync_copy(acc_sh.at[pl.ds(rows_pt * _NS, rem)],
                                    sj_hbm.at[pl.ds(rows_pt * _NS, rem)])

    return run(y, ii, jj, zeros_n)



def _tv_relu(t):
    t = t - jnp.mean(t, axis=1, keepdims=True)
    t = t / jnp.sqrt(jnp.sum(t * t, axis=1, keepdims=True) + 1e-3)
    return jnp.maximum(t, 0.0)


def _node_prep_body(x0_ref, wo_ref, wi_ref, wj_ref, xn_ref, u_ref, v_ref):
    xn = jnp.dot(x0_ref[...], wo_ref[...], preferred_element_type=_F32)
    xn_ref[...] = xn
    u_ref[...] = jnp.dot(xn, wi_ref[...], preferred_element_type=_F32)
    v_ref[...] = jnp.dot(xn, wj_ref[...], preferred_element_type=_F32)


def _node_prep(x0, wo_t, wi_t, wj_t):
    n, d = x0.shape[0], wo_t.shape[1]
    return pl.pallas_call(
        _node_prep_body,
        out_shape=[jax.ShapeDtypeStruct((n, d), _F32)] * 3,
    )(x0, wo_t, wi_t, wj_t)


def _edge1_body(g1_ref, g2_ref, xe0_ref, wo_ref, wa_ref, wk2_ref,
                xec_ref, xe1_ref):
    xeo = jnp.dot(xe0_ref[...], wo_ref[...], preferred_element_type=_F32)
    t = g1_ref[...] + g2_ref[...] + jnp.dot(
        xeo, wa_ref[...], preferred_element_type=_F32)
    xec = _tv_relu(t)
    xec_ref[...] = xec
    xe1_ref[...] = xeo + jnp.dot(xec, wk2_ref[...],
                                 preferred_element_type=_F32)


def _edge_layer1(g1, g2, xe0, wo_t, wa_t, wk2_t):
    e, d = g1.shape
    d0 = xe0.shape[1]
    grid = e // _EDGE_BLK
    blk = lambda w: pl.BlockSpec((_EDGE_BLK, w), lambda i: (i, 0))
    wspec = lambda a: pl.BlockSpec(a.shape, lambda i: (0, 0))
    return pl.pallas_call(
        _edge1_body,
        grid=(grid,),
        in_specs=[blk(d), blk(d), blk(d0),
                  wspec(wo_t), wspec(wa_t), wspec(wk2_t)],
        out_specs=[blk(d), blk(d)],
        out_shape=[jax.ShapeDtypeStruct((e, d), _F32)] * 2,
    )(g1, g2, xe0, wo_t, wa_t, wk2_t)


def _edge2_body(g1_ref, g2_ref, xe_ref, wa_ref, wk2_ref, wc_ref,
                xec_ref, xcl_ref):
    xe = xe_ref[...]
    t = g1_ref[...] + g2_ref[...] + jnp.dot(
        xe, wa_ref[...], preferred_element_type=_F32)
    xec = _tv_relu(t)
    xec_ref[...] = xec
    xe2 = xe + jnp.dot(xec, wk2_ref[...], preferred_element_type=_F32)
    xcl_ref[...] = jnp.dot(xe2, wc_ref[...], preferred_element_type=_F32)


def _edge_layer2(g1, g2, xe, wa_t, wk2_t, wc_t):
    e, d = g1.shape
    dc = wc_t.shape[1]
    grid = e // _EDGE_BLK
    blk = lambda w: pl.BlockSpec((_EDGE_BLK, w), lambda i: (i, 0))
    wspec = lambda a: pl.BlockSpec(a.shape, lambda i: (0, 0))
    return pl.pallas_call(
        _edge2_body,
        grid=(grid,),
        in_specs=[blk(d), blk(d), blk(d),
                  wspec(wa_t), wspec(wk2_t), wspec(wc_t)],
        out_specs=[blk(d), blk(dc)],
        out_shape=[jax.ShapeDtypeStruct((e, d), _F32),
                   jax.ShapeDtypeStruct((e, dc), _F32)],
    )(g1, g2, xe, wa_t, wk2_t, wc_t)


def _node_upd1_body(xn_ref, si_ref, sj_ref, wb_ref, wp_ref, wq_ref,
                    wi_ref, wj_ref, xn1_ref, u_ref, v_ref):
    xn = xn_ref[...]
    xn1 = (xn + jnp.dot(xn, wb_ref[...], preferred_element_type=_F32)
           + jnp.dot(si_ref[...], wp_ref[...], preferred_element_type=_F32)
           + jnp.dot(sj_ref[...], wq_ref[...], preferred_element_type=_F32))
    xn1_ref[...] = xn1
    u_ref[...] = jnp.dot(xn1, wi_ref[...], preferred_element_type=_F32)
    v_ref[...] = jnp.dot(xn1, wj_ref[...], preferred_element_type=_F32)


def _node_update1(xn, si, sj, wb_t, wp_t, wq_t, wi_t, wj_t):
    n, d = xn.shape
    return pl.pallas_call(
        _node_upd1_body,
        out_shape=[jax.ShapeDtypeStruct((n, d), _F32)] * 3,
    )(xn, si, sj, wb_t, wp_t, wq_t, wi_t, wj_t)


def _node_upd2_body(xn_ref, si_ref, sj_ref, wb_ref, wp_ref, wq_ref,
                    wc_ref, out_ref):
    xn = xn_ref[...]
    xn2 = (xn + jnp.dot(xn, wb_ref[...], preferred_element_type=_F32)
           + jnp.dot(si_ref[...], wp_ref[...], preferred_element_type=_F32)
           + jnp.dot(sj_ref[...], wq_ref[...], preferred_element_type=_F32))
    out_ref[...] = jnp.dot(xn2, wc_ref[...], preferred_element_type=_F32)


def _node_update2(xn, si, sj, wb_t, wp_t, wq_t, wc_t):
    n = xn.shape[0]
    dc = wc_t.shape[1]
    return pl.pallas_call(
        _node_upd2_body,
        out_shape=jax.ShapeDtypeStruct((n, dc), _F32),
    )(xn, si, sj, wb_t, wp_t, wq_t, wc_t)



def kernel(xn, xe, edge_index, KNopen, KEopen, KNclose, KEclose, KE1, KE2, KN):
    h = 0.1
    n = xn.shape[2]
    dn = KNopen.shape[0]

    x0 = xn[0].T
    xe0 = xe[0].T
    ii = edge_index[0]
    jj = edge_index[1]
    zeros_n = jnp.zeros((n, dn), _F32)

    wi_t, wj_t, wa_t, wk2_t = [], [], [], []
    wb_t, wp_t, wq_t = [], [], []
    for l in range(KE1.shape[0]):
        a_int = KE1[l][:, :dn]
        a_xe = KE1[l][:, dn:2 * dn]
        a_grad = KE1[l][:, 2 * dn:]
        wi_t.append((0.5 * a_int + a_grad).T)
        wj_t.append((0.5 * a_int - a_grad).T)
        wa_t.append(a_xe.T)
        wk2_t.append(h * KE2[l].T)
        b_int = KN[l][:, :dn]
        b_xn = KN[l][:, dn:2 * dn]
        b_div = KN[l][:, 2 * dn:]
        wb_t.append(h * b_xn.T)
        wp_t.append(h * (0.5 * b_int + b_div).T)
        wq_t.append(h * (0.5 * b_int - b_div).T)

    xn_o, u, v = _node_prep(x0, KNopen.T, wi_t[0], wj_t[0])
    g1, g2 = _sc_gather(u, v, ii, jj)
    xec, xe1 = _edge_layer1(g1, g2, xe0, KEopen.T, wa_t[0], wk2_t[0])
    si, sj = _sc_scatter(xec, ii, jj, zeros_n)
    xn1, u, v = _node_update1(xn_o, si, sj, wb_t[0], wp_t[0], wq_t[0],
                              wi_t[1], wj_t[1])
    g1, g2 = _sc_gather(u, v, ii, jj)
    xec, xe_cl = _edge_layer2(g1, g2, xe1, wa_t[1], wk2_t[1], KEclose.T)
    si, sj = _sc_scatter(xec, ii, jj, zeros_n)
    xn_cl = _node_update2(xn1, si, sj, wb_t[1], wp_t[1], wq_t[1], KNclose.T)

    return (xn_cl.T[None], xe_cl.T[None])

# --- scband reference (transcript-rebuilt; emitter-appended) ---
"""Pipeline reference for scband-graph-network-28527172780520 (READ-ONLY COPY).

The authoritative reference and input builder live on the scoring server;
editing this copy changes nothing except your own understanding.
"""

import jax, jax.numpy as jnp
import numpy as np


def conv1x1(x, K):
    # F.conv1d with 1x1 kernel == channel-mixing matmul
    return jnp.einsum('oc,bcn->bon', K, x)


def tv_norm(X, eps=1e-3):
    X = X - jnp.mean(X, axis=1, keepdims=True)
    return X / jnp.sqrt(jnp.sum(X ** 2, axis=1, keepdims=True) + eps)


def node_grad(xn, iInd, jInd):
    return xn[:, :, iInd] - xn[:, :, jInd]


def node_ave(xn, iInd, jInd):
    return 0.5 * (xn[:, :, iInd] + xn[:, :, jInd])


def edge_div(xe, iInd, jInd, n):
    z = jnp.zeros((xe.shape[0], xe.shape[1], n), xe.dtype)
    z = z.at[:, :, iInd].add(xe)
    z = z.at[:, :, jInd].add(-xe)
    return z


def edge_ave(xe, iInd, jInd, n):
    z = jnp.zeros((xe.shape[0], xe.shape[1], n), xe.dtype)
    z = z.at[:, :, iInd].add(xe)
    z = z.at[:, :, jInd].add(xe)
    return 0.5 * z


def setup_inputs(seed: int = 0) -> dict:
    key = jax.random.key(seed)
    ks = jax.random.split(key, 12)
    N = 10000
    E = 320000
    nNin, nEin = 128, 16
    nNopen, nEopen, nEhid = 128, 128, 128
    nNclose, nEclose = 128, 16
    nlayer = 2
    stdv, stdvp = 0.01, 0.001
    xn = jax.random.normal(ks[0], (1, nNin, N), dtype=jnp.float32)
    xe = jax.random.normal(ks[1], (1, nEin, E), dtype=jnp.float32)
    edge_index = jax.random.randint(ks[2], (2, E), 0, N, dtype=jnp.int32)
    KNopen = jax.random.normal(ks[3], (nNopen, nNin), dtype=jnp.float32) * stdv
    KEopen = jax.random.normal(ks[4], (nEopen, nEin), dtype=jnp.float32) * stdv
    KNclose = jax.random.normal(ks[5], (nNclose, nNopen), dtype=jnp.float32) * stdv
    KEclose = jax.random.normal(ks[6], (nEclose, nEopen), dtype=jnp.float32) * stdv
    NEfeatures = 2 * nNopen + nEopen
    KE1 = jax.random.uniform(ks[7], (nlayer, nEhid, NEfeatures), dtype=jnp.float32) * stdvp
    KE2 = jax.random.uniform(ks[8], (nlayer, nEopen, nEhid), dtype=jnp.float32) * stdvp
    Nnfeatures = 2 * nEhid + nNopen
    KN = jax.random.uniform(ks[9], (nlayer, nNopen, Nnfeatures), dtype=jnp.float32) * stdvp
    return {"xn": xn, "xe": xe, "edge_index": edge_index, "KNopen": KNopen, "KEopen": KEopen, "KNclose": KNclose, "KEclose": KEclose, "KE1": KE1, "KE2": KE2, "KN": KN}


def reference(xn, xe, edge_index, KNopen, KEopen, KNclose, KEclose, KE1, KE2, KN):
    h = 0.1
    iInd = edge_index[0]
    jInd = edge_index[1]
    n = xn.shape[2]
    xn = conv1x1(xn, KNopen)
    xe = conv1x1(xe, KEopen)
    nlayers = KE1.shape[0]
    for i in range(nlayers):
        gradX = node_grad(xn, iInd, jInd)
        intX = node_ave(xn, iInd, jInd)
        xec = jnp.concatenate([intX, xe, gradX], axis=1)
        xec = conv1x1(xec, KE1[i])
        xec = tv_norm(xec)
        xec = jax.nn.relu(xec)
        divXe = edge_div(xec, iInd, jInd, n)
        intXe = edge_ave(xec, iInd, jInd, n)
        xnc = jnp.concatenate([intXe, xn, divXe], axis=1)
        xe = xe + h * conv1x1(xec, KE2[i])
        xn = xn + h * conv1x1(xnc, KN[i])
    xn = conv1x1(xn, KNclose)
    xe = conv1x1(xe, KEclose)
    return (xn, xe)

if __name__ == "__main__":
    import jax
    _d = setup_inputs()
    print(jax.jit(kernel)(*tuple(_d.values())))

</pallas_src>

<mosaic_0001>
#map = affine_map<(d0, d1) -> (0, 0)>
#map1 = affine_map<(d0, d1) -> (0)>
module attributes {stable_mosaic.version = 14 : i64} {
  func.func @run(%arg0: i32, %arg1: i32, %arg2: memref<10000x128xf32, #tpu.memory_space<hbm>>, %arg3: memref<10000x128xf32, #tpu.memory_space<hbm>>, %arg4: memref<320000xi32, #tpu.memory_space<hbm>>, %arg5: memref<320000xi32, #tpu.memory_space<hbm>>, %arg6: memref<320000x128xf32, #tpu.memory_space<hbm>>, %arg7: memref<320000x128xf32, #tpu.memory_space<hbm>>, %arg8: memref<128xi32, #tpu.memory_space<vmem>>, %arg9: memref<128xi32, #tpu.memory_space<vmem>>, %arg10: memref<128x128xf32, #tpu.memory_space<vmem>>, %arg11: memref<128x128xf32, #tpu.memory_space<vmem>>, %arg12: memref<!tpu.dma_semaphore, #tpu.memory_space<semaphore_mem>>, %arg13: memref<!tpu.dma_semaphore, #tpu.memory_space<semaphore_mem>>) attributes {dimension_semantics = [#tpu.dimension_semantics<core_parallel>, #tpu.dimension_semantics<subcore_parallel>], iteration_bounds = array<i64: 2, 16>, scalar_prefetch = 0 : i64, scratch_operands = 6 : i64, tpu.core_type = #tpu.core_type<sc_vector_subcore>, window_params = [{transform_indices = #map}, {transform_indices = #map}, {transform_indices = #map1}, {transform_indices = #map1}, {transform_indices = #map}, {transform_indices = #map}]} {
    %mul3A = arith.constant 2 : i32
    %mul3A_0 = arith.muli %arg1, %mul3A : i32
    %add3A = arith.addi %mul3A_0, %arg0 : i32
    %scan3A = arith.constant 0 : i32
    %scan3A_1 = arith.constant 0 : i32
    %scan3A_2 = arith.constant 79 : i32
    %scan3A_3 = arith.addi %scan3A_1, %scan3A_2 : i32
    %scan3A_4 = arith.constant 1 : i32
    scf.for %scan3A_6 = %scan3A_1 to %scan3A_3 step %scan3A_4  : i32 {
      %mul3A_7 = arith.constant 32 : i32
      %mul3A_8 = arith.muli %scan3A_6, %mul3A_7 : i32
      %add3A_9 = arith.addi %add3A, %mul3A_8 : i32
      %lt3A = arith.constant 2500 : i32
      %lt3A_10 = arith.cmpi slt, %add3A_9, %lt3A : i32
      %convert_element_type3A = arith.extui %lt3A_10 : i1 to i32
      %cond3A = arith.constant 0 : i32
      %cond3A_11 = arith.cmpi ne, %convert_element_type3A, %cond3A : i32
      scf.if %cond3A_11 {
        %mul3A_12 = arith.constant 128 : i32
        %mul3A_13 = arith.muli %add3A_9, %mul3A_12 : i32
        "tpu.region"() ({
          %run_scoped3A = tpu.sem_alloc : memref<!tpu.dma_semaphore, #tpu.memory_space<semaphore_mem>>
          %dma_start3A_24 = tpu.memref_slice %arg4[%mul3A_13] : memref<320000xi32, #tpu.memory_space<hbm>> -> memref<128xi32, #tpu.memory_space<hbm>>
          %dma_start3A_25 = tpu.memref_slice %arg4[%mul3A_13] : memref<320000xi32, #tpu.memory_space<hbm>> -> memref<128xi32, #tpu.memory_space<hbm>>
          tpu.enqueue_dma source(%dma_start3A_25 : memref<128xi32, #tpu.memory_space<hbm>>) target(%arg8 : memref<128xi32, #tpu.memory_space<vmem>>) target_semaphore(%run_scoped3A : memref<!tpu.dma_semaphore, #tpu.memory_space<semaphore_mem>>)
          %dma_wait3A_26 = tpu.memref_slice %arg4[%mul3A_13] : memref<320000xi32, #tpu.memory_space<hbm>> -> memref<128xi32, #tpu.memory_space<hbm>>
          %dma_wait3A_27 = tpu.memref_slice %arg4[%mul3A_13] : memref<320000xi32, #tpu.memory_space<hbm>> -> memref<128xi32, #tpu.memory_space<hbm>>
          tpu.wait_dma2 semaphore(%run_scoped3A : memref<!tpu.dma_semaphore, #tpu.memory_space<semaphore_mem>>) src(%dma_wait3A_27 : memref<128xi32, #tpu.memory_space<hbm>>) dst(%arg8 : memref<128xi32, #tpu.memory_space<vmem>>)
          tpu.yield
        }) : () -> ()
        "tpu.region"() ({
          %run_scoped3A = tpu.sem_alloc : memref<!tpu.dma_semaphore, #tpu.memory_space<semaphore_mem>>
          %dma_start3A_24 = tpu.memref_slice %arg5[%mul3A_13] : memref<320000xi32, #tpu.memory_space<hbm>> -> memref<128xi32, #tpu.memory_space<hbm>>
          %dma_start3A_25 = tpu.memref_slice %arg5[%mul3A_13] : memref<320000xi32, #tpu.memory_space<hbm>> -> memref<128xi32, #tpu.memory_space<hbm>>
          tpu.enqueue_dma source(%dma_start3A_25 : memref<128xi32, #tpu.memory_space<hbm>>) target(%arg9 : memref<128xi32, #tpu.memory_space<vmem>>) target_semaphore(%run_scoped3A : memref<!tpu.dma_semaphore, #tpu.memory_space<semaphore_mem>>)
          %dma_wait3A_26 = tpu.memref_slice %arg5[%mul3A_13] : memref<320000xi32, #tpu.memory_space<hbm>> -> memref<128xi32, #tpu.memory_space<hbm>>
          %dma_wait3A_27 = tpu.memref_slice %arg5[%mul3A_13] : memref<320000xi32, #tpu.memory_space<hbm>> -> memref<128xi32, #tpu.memory_space<hbm>>
          tpu.wait_dma2 semaphore(%run_scoped3A : memref<!tpu.dma_semaphore, #tpu.memory_space<semaphore_mem>>) src(%dma_wait3A_27 : memref<128xi32, #tpu.memory_space<hbm>>) dst(%arg9 : memref<128xi32, #tpu.memory_space<vmem>>)
          tpu.yield
        }) : () -> ()
        %dma_start3A = arith.constant 0 : i32
        %dma_start3A_14 = arith.constant 0 : i32
        %dma_start3A_15 = tpu.memref_slice %arg2[%dma_start3A, %dma_start3A_14] : memref<10000x128xf32, #tpu.memory_space<hbm>> -> memref<10000x128xf32, #tpu.memory_space<hbm>>
        tpu.enqueue_indirect_dma source(%dma_start3A_15 : memref<10000x128xf32, #tpu.memory_space<hbm>>) target(%arg10 : memref<128x128xf32, #tpu.memory_space<vmem>>) offsets(%arg8 : memref<128xi32, #tpu.memory_space<vmem>>) semaphore(%arg12 : memref<!tpu.dma_semaphore, #tpu.memory_space<semaphore_mem>>)
        %dma_start3A_16 = arith.constant 0 : i32
        %dma_start3A_17 = arith.constant 0 : i32
        %dma_start3A_18 = tpu.memref_slice %arg3[%dma_start3A_16, %dma_start3A_17] : memref<10000x128xf32, #tpu.memory_space<hbm>> -> memref<10000x128xf32, #tpu.memory_space<hbm>>
        tpu.enqueue_indirect_dma source(%dma_start3A_18 : memref<10000x128xf32, #tpu.memory_space<hbm>>) target(%arg11 : memref<128x128xf32, #tpu.memory_space<vmem>>) offsets(%arg9 : memref<128xi32, #tpu.memory_space<vmem>>) semaphore(%arg13 : memref<!tpu.dma_semaphore, #tpu.memory_space<semaphore_mem>>)
        %dma_wait3A = arith.constant 0 : i32
        %dma_wait3A_19 = arith.constant 0 : i32
        %dma_wait3A_20 = tpu.memref_slice %arg2[%dma_wait3A, %dma_wait3A_19] : memref<10000x128xf32, #tpu.memory_space<hbm>> -> memref<10000x128xf32, #tpu.memory_space<hbm>>
        tpu.wait_indirect_dma semaphore(%arg12 : memref<!tpu.dma_semaphore, #tpu.memory_space<semaphore_mem>>) src(%dma_wait3A_20 : memref<10000x128xf32, #tpu.memory_space<hbm>>) dst(%arg10 : memref<128x128xf32, #tpu.memory_space<vmem>>)
        %dma_wait3A_21 = arith.constant 0 : i32
        %dma_wait3A_22 = arith.constant 0 : i32
        %dma_wait3A_23 = tpu.memref_slice %arg3[%dma_wait3A_21, %dma_wait3A_22] : memref<10000x128xf32, #tpu.memory_space<hbm>> -> memref<10000x128xf32, #tpu.memory_space<hbm>>
        tpu.wait_indirect_dma semaphore(%arg13 : memref<!tpu.dma_semaphore, #tpu.memory_space<semaphore_mem>>) src(%dma_wait3A_23 : memref<10000x128xf32, #tpu.memory_space<hbm>>) dst(%arg11 : memref<128x128xf32, #tpu.memory_space<vmem>>)
        "tpu.region"() ({
          %run_scoped3A = tpu.sem_alloc : memref<!tpu.dma_semaphore, #tpu.memory_space<semaphore_mem>>
          %dma_start3A_24 = arith.constant 0 : i32
          %dma_start3A_25 = tpu.memref_slice %arg6[%mul3A_13, %dma_start3A_24] : memref<320000x128xf32, #tpu.memory_space<hbm>> -> memref<128x128xf32, #tpu.memory_space<hbm>>
          %dma_start3A_26 = arith.constant 0 : i32
          %dma_start3A_27 = tpu.memref_slice %arg6[%mul3A_13, %dma_start3A_26] : memref<320000x128xf32, #tpu.memory_space<hbm>> -> memref<128x128xf32, #tpu.memory_space<hbm>>
          tpu.enqueue_dma source(%arg10 : memref<128x128xf32, #tpu.memory_space<vmem>>) target(%dma_start3A_27 : memref<128x128xf32, #tpu.memory_space<hbm>>) target_semaphore(%run_scoped3A : memref<!tpu.dma_semaphore, #tpu.memory_space<semaphore_mem>>)
          %dma_wait3A_28 = arith.constant 0 : i32
          %dma_wait3A_29 = tpu.memref_slice %arg6[%mul3A_13, %dma_wait3A_28] : memref<320000x128xf32, #tpu.memory_space<hbm>> -> memref<128x128xf32, #tpu.memory_space<hbm>>
          %dma_wait3A_30 = arith.constant 0 : i32
          %dma_wait3A_31 = tpu.memref_slice %arg6[%mul3A_13, %dma_wait3A_30] : memref<320000x128xf32, #tpu.memory_space<hbm>> -> memref<128x128xf32, #tpu.memory_space<hbm>>
          tpu.wait_dma2 semaphore(%run_scoped3A : memref<!tpu.dma_semaphore, #tpu.memory_space<semaphore_mem>>) src(%arg10 : memref<128x128xf32, #tpu.memory_space<vmem>>) dst(%dma_wait3A_31 : memref<128x128xf32, #tpu.memory_space<hbm>>)
          tpu.yield
        }) : () -> ()
        "tpu.region"() ({
          %run_scoped3A = tpu.sem_alloc : memref<!tpu.dma_semaphore, #tpu.memory_space<semaphore_mem>>
          %dma_start3A_24 = arith.constant 0 : i32
          %dma_start3A_25 = tpu.memref_slice %arg7[%mul3A_13, %dma_start3A_24] : memref<320000x128xf32, #tpu.memory_space<hbm>> -> memref<128x128xf32, #tpu.memory_space<hbm>>
          %dma_start3A_26 = arith.constant 0 : i32
          %dma_start3A_27 = tpu.memref_slice %arg7[%mul3A_13, %dma_start3A_26] : memref<320000x128xf32, #tpu.memory_space<hbm>> -> memref<128x128xf32, #tpu.memory_space<hbm>>
          tpu.enqueue_dma source(%arg11 : memref<128x128xf32, #tpu.memory_space<vmem>>) target(%dma_start3A_27 : memref<128x128xf32, #tpu.memory_space<hbm>>) target_semaphore(%run_scoped3A : memref<!tpu.dma_semaphore, #tpu.memory_space<semaphore_mem>>)
          %dma_wait3A_28 = arith.constant 0 : i32
          %dma_wait3A_29 = tpu.memref_slice %arg7[%mul3A_13, %dma_wait3A_28] : memref<320000x128xf32, #tpu.memory_space<hbm>> -> memref<128x128xf32, #tpu.memory_space<hbm>>
          %dma_wait3A_30 = arith.constant 0 : i32
          %dma_wait3A_31 = tpu.memref_slice %arg7[%mul3A_13, %dma_wait3A_30] : memref<320000x128xf32, #tpu.memory_space<hbm>> -> memref<128x128xf32, #tpu.memory_space<hbm>>
          tpu.wait_dma2 semaphore(%run_scoped3A : memref<!tpu.dma_semaphore, #tpu.memory_space<semaphore_mem>>) src(%arg11 : memref<128x128xf32, #tpu.memory_space<vmem>>) dst(%dma_wait3A_31 : memref<128x128xf32, #tpu.memory_space<hbm>>)
          tpu.yield
        }) : () -> ()
      } else {
      }
    }
    %scan3A_5 = arith.constant 79 : i32
    return
  }
}

#map = affine_map<(d0, d1) -> (0, 0)>
#map1 = affine_map<(d0, d1) -> (0)>
module attributes {stable_mosaic.version = 14 : i64} {
  func.func @run(%arg0: i32, %arg1: i32, %arg2: memref<320000x128xf32, #tpu.memory_space<hbm>>, %arg3: memref<320000xi32, #tpu.memory_space<hbm>>, %arg4: memref<320000xi32, #tpu.memory_space<hbm>>, %arg5: memref<10000x128xf32, #tpu.memory_space<hbm>>, %arg6: memref<10000x128xf32, #tpu.memory_space<hbm>>, %arg7: memref<10000x128xf32, #tpu.memory_space<hbm>>, %arg8: memref<128xi32, #tpu.memory_space<vmem>>, %arg9: memref<128x128xf32, #tpu.memory_space<vmem>>, %arg10: memref<10000x128xf32, #tpu.memory_space<vmem_shared>>) attributes {dimension_semantics = [#tpu.dimension_semantics<core_parallel>, #tpu.dimension_semantics<subcore_parallel>], iteration_bounds = array<i64: 2, 16>, scalar_prefetch = 0 : i64, scratch_operands = 3 : i64, tpu.core_type = #tpu.core_type<sc_vector_subcore>, window_params = [{transform_indices = #map}, {transform_indices = #map1}, {transform_indices = #map1}, {transform_indices = #map}, {transform_indices = #map}, {transform_indices = #map}]} {
    %mul3A = arith.constant 624 : i32
    %mul3A_0 = arith.muli %arg1, %mul3A : i32
    "tpu.region"() ({
      %run_scoped3A = tpu.sem_alloc : memref<!tpu.dma_semaphore, #tpu.memory_space<semaphore_mem>>
      %dma_start3A = arith.constant 0 : i32
      %dma_start3A_24 = tpu.memref_slice %arg10[%mul3A_0, %dma_start3A] : memref<10000x128xf32, #tpu.memory_space<vmem_shared>> -> memref<624x128xf32, #tpu.memory_space<vmem_shared>>
      %dma_start3A_25 = arith.constant 0 : i32
      %dma_start3A_26 = tpu.memref_slice %arg5[%mul3A_0, %dma_start3A_25] : memref<10000x128xf32, #tpu.memory_space<hbm>> -> memref<624x128xf32, #tpu.memory_space<hbm>>
      tpu.enqueue_dma source(%dma_start3A_26 : memref<624x128xf32, #tpu.memory_space<hbm>>) target(%dma_start3A_24 : memref<624x128xf32, #tpu.memory_space<vmem_shared>>) target_semaphore(%run_scoped3A : memref<!tpu.dma_semaphore, #tpu.memory_space<semaphore_mem>>)
      %dma_wait3A = arith.constant 0 : i32
      %dma_wait3A_27 = tpu.memref_slice %arg10[%mul3A_0, %dma_wait3A] : memref<10000x128xf32, #tpu.memory_space<vmem_shared>> -> memref<624x128xf32, #tpu.memory_space<vmem_shared>>
      %dma_wait3A_28 = arith.constant 0 : i32
      %dma_wait3A_29 = tpu.memref_slice %arg5[%mul3A_0, %dma_wait3A_28] : memref<10000x128xf32, #tpu.memory_space<hbm>> -> memref<624x128xf32, #tpu.memory_space<hbm>>
      tpu.wait_dma2 semaphore(%run_scoped3A : memref<!tpu.dma_semaphore, #tpu.memory_space<semaphore_mem>>) src(%dma_wait3A_29 : memref<624x128xf32, #tpu.memory_space<hbm>>) dst(%dma_wait3A_27 : memref<624x128xf32, #tpu.memory_space<vmem_shared>>)
      tpu.yield
    }) : () -> ()
    %eq3A = arith.constant 0 : i32
    %eq3A_1 = arith.cmpi eq, %arg1, %eq3A : i32
    %convert_element_type3A = arith.extui %eq3A_1 : i1 to i32
    %cond3A = arith.constant 0 : i32
    %cond3A_2 = arith.cmpi ne, %convert_element_type3A, %cond3A : i32
    scf.if %cond3A_2 {
      "tpu.region"() ({
        %run_scoped3A = tpu.sem_alloc : memref<!tpu.dma_semaphore, #tpu.memory_space<semaphore_mem>>
        %dma_start3A = arith.constant 9984 : i32
        %dma_start3A_24 = arith.constant 0 : i32
        %dma_start3A_25 = tpu.memref_slice %arg10[%dma_start3A, %dma_start3A_24] : memref<10000x128xf32, #tpu.memory_space<vmem_shared>> -> memref<16x128xf32, #tpu.memory_space<vmem_shared>>
        %dma_start3A_26 = arith.constant 9984 : i32
        %dma_start3A_27 = arith.constant 0 : i32
        %dma_start3A_28 = tpu.memref_slice %arg5[%dma_start3A_26, %dma_start3A_27] : memref<10000x128xf32, #tpu.memory_space<hbm>> -> memref<16x128xf32, #tpu.memory_space<hbm>>
        tpu.enqueue_dma source(%dma_start3A_28 : memref<16x128xf32, #tpu.memory_space<hbm>>) target(%dma_start3A_25 : memref<16x128xf32, #tpu.memory_space<vmem_shared>>) target_semaphore(%run_scoped3A : memref<!tpu.dma_semaphore, #tpu.memory_space<semaphore_mem>>)
        %dma_wait3A = arith.constant 9984 : i32
        %dma_wait3A_29 = arith.constant 0 : i32
        %dma_wait3A_30 = tpu.memref_slice %arg10[%dma_wait3A, %dma_wait3A_29] : memref<10000x128xf32, #tpu.memory_space<vmem_shared>> -> memref<16x128xf32, #tpu.memory_space<vmem_shared>>
        %dma_wait3A_31 = arith.constant 9984 : i32
        %dma_wait3A_32 = arith.constant 0 : i32
        %dma_wait3A_33 = tpu.memref_slice %arg5[%dma_wait3A_31, %dma_wait3A_32] : memref<10000x128xf32, #tpu.memory_space<hbm>> -> memref<16x128xf32, #tpu.memory_space<hbm>>
        tpu.wait_dma2 semaphore(%run_scoped3A : memref<!tpu.dma_semaphore, #tpu.memory_space<semaphore_mem>>) src(%dma_wait3A_33 : memref<16x128xf32, #tpu.memory_space<hbm>>) dst(%dma_wait3A_30 : memref<16x128xf32, #tpu.memory_space<vmem_shared>>)
        tpu.yield
      }) : () -> ()
    } else {
    }
    %barrier3A = arith.constant 0 : index
    tpu.barrier barrier_id(%barrier3A)
    %eq3A_3 = arith.constant 0 : i32
    %eq3A_4 = arith.cmpi eq, %arg0, %eq3A_3 : i32
    %convert_element_type3A_5 = arith.extui %eq3A_4 : i1 to i32
    %cond3A_6 = arith.constant 0 : i32
    %cond3A_7 = arith.cmpi ne, %convert_element_type3A_5, %cond3A_6 : i32
    scf.if %cond3A_7 {
      %scan3A = arith.constant 0 : i32
      %scan3A_24 = arith.constant 0 : i32
      %scan3A_25 = arith.constant 157 : i32
      %scan3A_26 = arith.addi %scan3A_24, %scan3A_25 : i32
      %scan3A_27 = arith.constant 1 : i32
      scf.for %scan3A_29 = %scan3A_24 to %scan3A_26 step %scan3A_27  : i32 {
        %mul3A_30 = arith.constant 16 : i32
        %mul3A_31 = arith.muli %scan3A_29, %mul3A_30 : i32
        %add3A = arith.addi %arg1, %mul3A_31 : i32
        %lt3A = arith.constant 2500 : i32
        %lt3A_32 = arith.cmpi slt, %add3A, %lt3A : i32
        %convert_element_type3A_33 = arith.extui %lt3A_32 : i1 to i32
        %cond3A_34 = arith.constant 0 : i32
        %cond3A_35 = arith.cmpi ne, %convert_element_type3A_33, %cond3A_34 : i32
        scf.if %cond3A_35 {
          %mul3A_36 = arith.constant 128 : i32
          %mul3A_37 = arith.muli %add3A, %mul3A_36 : i32
          "tpu.region"() ({
            %run_scoped3A = tpu.sem_alloc : memref<!tpu.dma_semaphore, #tpu.memory_space<semaphore_mem>>
            %dma_start3A = tpu.memref_slice %arg3[%mul3A_37] : memref<320000xi32, #tpu.memory_space<hbm>> -> memref<128xi32, #tpu.memory_space<hbm>>
            %dma_start3A_38 = tpu.memref_slice %arg3[%mul3A_37] : memref<320000xi32, #tpu.memory_space<hbm>> -> memref<128xi32, #tpu.memory_space<hbm>>
            tpu.enqueue_dma source(%dma_start3A_38 : memref<128xi32, #tpu.memory_space<hbm>>) target(%arg8 : memref<128xi32, #tpu.memory_space<vmem>>) target_semaphore(%run_scoped3A : memref<!tpu.dma_semaphore, #tpu.memory_space<semaphore_mem>>)
            %dma_wait3A = tpu.memref_slice %arg3[%mul3A_37] : memref<320000xi32, #tpu.memory_space<hbm>> -> memref<128xi32, #tpu.memory_space<hbm>>
            %dma_wait3A_39 = tpu.memref_slice %arg3[%mul3A_37] : memref<320000xi32, #tpu.memory_space<hbm>> -> memref<128xi32, #tpu.memory_space<hbm>>
            tpu.wait_dma2 semaphore(%run_scoped3A : memref<!tpu.dma_semaphore, #tpu.memory_space<semaphore_mem>>) src(%dma_wait3A_39 : memref<128xi32, #tpu.memory_space<hbm>>) dst(%arg8 : memref<128xi32, #tpu.memory_space<vmem>>)
            tpu.yield
          }) : () -> ()
          "tpu.region"() ({
            %run_scoped3A = tpu.sem_alloc : memref<!tpu.dma_semaphore, #tpu.memory_space<semaphore_mem>>
            %dma_start3A = arith.constant 0 : i32
            %dma_start3A_38 = tpu.memref_slice %arg2[%mul3A_37, %dma_start3A] : memref<320000x128xf32, #tpu.memory_space<hbm>> -> memref<128x128xf32, #tpu.memory_space<hbm>>
            %dma_start3A_39 = arith.constant 0 : i32
            %dma_start3A_40 = tpu.memref_slice %arg2[%mul3A_37, %dma_start3A_39] : memref<320000x128xf32, #tpu.memory_space<hbm>> -> memref<128x128xf32, #tpu.memory_space<hbm>>
            tpu.enqueue_dma source(%dma_start3A_40 : memref<128x128xf32, #tpu.memory_space<hbm>>) target(%arg9 : memref<128x128xf32, #tpu.memory_space<vmem>>) target_semaphore(%run_scoped3A : memref<!tpu.dma_semaphore, #tpu.memory_space<semaphore_mem>>)
            %dma_wait3A = arith.constant 0 : i32
            %dma_wait3A_41 = tpu.memref_slice %arg2[%mul3A_37, %dma_wait3A] : memref<320000x128xf32, #tpu.memory_space<hbm>> -> memref<128x128xf32, #tpu.memory_space<hbm>>
            %dma_wait3A_42 = arith.constant 0 : i32
            %dma_wait3A_43 = tpu.memref_slice %arg2[%mul3A_37, %dma_wait3A_42] : memref<320000x128xf32, #tpu.memory_space<hbm>> -> memref<128x128xf32, #tpu.memory_space<hbm>>
            tpu.wait_dma2 semaphore(%run_scoped3A : memref<!tpu.dma_semaphore, #tpu.memory_space<semaphore_mem>>) src(%dma_wait3A_43 : memref<128x128xf32, #tpu.memory_space<hbm>>) dst(%arg9 : memref<128x128xf32, #tpu.memory_space<vmem>>)
            tpu.yield
          }) : () -> ()
          "tpu.region"() ({
            %run_scoped3A = tpu.sem_alloc : memref<!tpu.dma_semaphore, #tpu.memory_space<semaphore_mem>>
            %dma_start3A = arith.constant 0 : i32
            %dma_start3A_38 = arith.constant 0 : i32
            %dma_start3A_39 = tpu.memref_slice %arg10[%dma_start3A, %dma_start3A_38] : memref<10000x128xf32, #tpu.memory_space<vmem_shared>> -> memref<10000x128xf32, #tpu.memory_space<vmem_shared>>
            tpu.enqueue_indirect_dma source(%arg9 : memref<128x128xf32, #tpu.memory_space<vmem>>) target(%dma_start3A_39 : memref<10000x128xf32, #tpu.memory_space<vmem_shared>>) offsets(%arg8 : memref<128xi32, #tpu.memory_space<vmem>>) semaphore(%run_scoped3A : memref<!tpu.dma_semaphore, #tpu.memory_space<semaphore_mem>>) {add = true}
            %dma_wait3A = arith.constant 0 : i32
            %dma_wait3A_40 = arith.constant 0 : i32
            %dma_wait3A_41 = tpu.memref_slice %arg10[%dma_wait3A, %dma_wait3A_40] : memref<10000x128xf32, #tpu.memory_space<vmem_shared>> -> memref<10000x128xf32, #tpu.memory_space<vmem_shared>>
            tpu.wait_indirect_dma semaphore(%run_scoped3A : memref<!tpu.dma_semaphore, #tpu.memory_space<semaphore_mem>>) src(%arg9 : memref<128x128xf32, #tpu.memory_space<vmem>>) dst(%dma_wait3A_41 : memref<10000x128xf32, #tpu.memory_space<vmem_shared>>)
            tpu.yield
          }) : () -> ()
        } else {
        }
      }
      %scan3A_28 = arith.constant 157 : i32
    } else {
    }
    %eq3A_8 = arith.constant 1 : i32
    %eq3A_9 = arith.cmpi eq, %arg0, %eq3A_8 : i32
    %convert_element_type3A_10 = arith.extui %eq3A_9 : i1 to i32
    %cond3A_11 = arith.constant 0 : i32
    %cond3A_12 = arith.cmpi ne, %convert_element_type3A_10, %cond3A_11 : i32
    scf.if %cond3A_12 {
      %scan3A = arith.constant 0 : i32
      %scan3A_24 = arith.constant 0 : i32
      %scan3A_25 = arith.constant 157 : i32
      %scan3A_26 = arith.addi %scan3A_24, %scan3A_25 : i32
      %scan3A_27 = arith.constant 1 : i32
      scf.for %scan3A_29 = %scan3A_24 to %scan3A_26 step %scan3A_27  : i32 {
        %mul3A_30 = arith.constant 16 : i32
        %mul3A_31 = arith.muli %scan3A_29, %mul3A_30 : i32
        %add3A = arith.addi %arg1, %mul3A_31 : i32
        %lt3A = arith.constant 2500 : i32
        %lt3A_32 = arith.cmpi slt, %add3A, %lt3A : i32
        %convert_element_type3A_33 = arith.extui %lt3A_32 : i1 to i32
        %cond3A_34 = arith.constant 0 : i32
        %cond3A_35 = arith.cmpi ne, %convert_element_type3A_33, %cond3A_34 : i32
        scf.if %cond3A_35 {
          %mul3A_36 = arith.constant 128 : i32
          %mul3A_37 = arith.muli %add3A, %mul3A_36 : i32
          "tpu.region"() ({
            %run_scoped3A = tpu.sem_alloc : memref<!tpu.dma_semaphore, #tpu.memory_space<semaphore_mem>>
            %dma_start3A = tpu.memref_slice %arg4[%mul3A_37] : memref<320000xi32, #tpu.memory_space<hbm>> -> memref<128xi32, #tpu.memory_space<hbm>>
            %dma_start3A_38 = tpu.memref_slice %arg4[%mul3A_37] : memref<320000xi32, #tpu.memory_space<hbm>> -> memref<128xi32, #tpu.memory_space<hbm>>
            tpu.enqueue_dma source(%dma_start3A_38 : memref<128xi32, #tpu.memory_space<hbm>>) target(%arg8 : memref<128xi32, #tpu.memory_space<vmem>>) target_semaphore(%run_scoped3A : memref<!tpu.dma_semaphore, #tpu.memory_space<semaphore_mem>>)
            %dma_wait3A = tpu.memref_slice %arg4[%mul3A_37] : memref<320000xi32, #tpu.memory_space<hbm>> -> memref<128xi32, #tpu.memory_space<hbm>>
            %dma_wait3A_39 = tpu.memref_slice %arg4[%mul3A_37] : memref<320000xi32, #tpu.memory_space<hbm>> -> memref<128xi32, #tpu.memory_space<hbm>>
            tpu.wait_dma2 semaphore(%run_scoped3A : memref<!tpu.dma_semaphore, #tpu.memory_space<semaphore_mem>>) src(%dma_wait3A_39 : memref<128xi32, #tpu.memory_space<hbm>>) dst(%arg8 : memref<128xi32, #tpu.memory_space<vmem>>)
            tpu.yield
          }) : () -> ()
          "tpu.region"() ({
            %run_scoped3A = tpu.sem_alloc : memref<!tpu.dma_semaphore, #tpu.memory_space<semaphore_mem>>
            %dma_start3A = arith.constant 0 : i32
            %dma_start3A_38 = tpu.memref_slice %arg2[%mul3A_37, %dma_start3A] : memref<320000x128xf32, #tpu.memory_space<hbm>> -> memref<128x128xf32, #tpu.memory_space<hbm>>
            %dma_start3A_39 = arith.constant 0 : i32
            %dma_start3A_40 = tpu.memref_slice %arg2[%mul3A_37, %dma_start3A_39] : memref<320000x128xf32, #tpu.memory_space<hbm>> -> memref<128x128xf32, #tpu.memory_space<hbm>>
            tpu.enqueue_dma source(%dma_start3A_40 : memref<128x128xf32, #tpu.memory_space<hbm>>) target(%arg9 : memref<128x128xf32, #tpu.memory_space<vmem>>) target_semaphore(%run_scoped3A : memref<!tpu.dma_semaphore, #tpu.memory_space<semaphore_mem>>)
            %dma_wait3A = arith.constant 0 : i32
            %dma_wait3A_41 = tpu.memref_slice %arg2[%mul3A_37, %dma_wait3A] : memref<320000x128xf32, #tpu.memory_space<hbm>> -> memref<128x128xf32, #tpu.memory_space<hbm>>
            %dma_wait3A_42 = arith.constant 0 : i32
            %dma_wait3A_43 = tpu.memref_slice %arg2[%mul3A_37, %dma_wait3A_42] : memref<320000x128xf32, #tpu.memory_space<hbm>> -> memref<128x128xf32, #tpu.memory_space<hbm>>
            tpu.wait_dma2 semaphore(%run_scoped3A : memref<!tpu.dma_semaphore, #tpu.memory_space<semaphore_mem>>) src(%dma_wait3A_43 : memref<128x128xf32, #tpu.memory_space<hbm>>) dst(%arg9 : memref<128x128xf32, #tpu.memory_space<vmem>>)
            tpu.yield
          }) : () -> ()
          "tpu.region"() ({
            %run_scoped3A = tpu.sem_alloc : memref<!tpu.dma_semaphore, #tpu.memory_space<semaphore_mem>>
            %dma_start3A = arith.constant 0 : i32
            %dma_start3A_38 = arith.constant 0 : i32
            %dma_start3A_39 = tpu.memref_slice %arg10[%dma_start3A, %dma_start3A_38] : memref<10000x128xf32, #tpu.memory_space<vmem_shared>> -> memref<10000x128xf32, #tpu.memory_space<vmem_shared>>
            tpu.enqueue_indirect_dma source(%arg9 : memref<128x128xf32, #tpu.memory_space<vmem>>) target(%dma_start3A_39 : memref<10000x128xf32, #tpu.memory_space<vmem_shared>>) offsets(%arg8 : memref<128xi32, #tpu.memory_space<vmem>>) semaphore(%run_scoped3A : memref<!tpu.dma_semaphore, #tpu.memory_space<semaphore_mem>>) {add = true}
            %dma_wait3A = arith.constant 0 : i32
            %dma_wait3A_40 = arith.constant 0 : i32
            %dma_wait3A_41 = tpu.memref_slice %arg10[%dma_wait3A, %dma_wait3A_40] : memref<10000x128xf32, #tpu.memory_space<vmem_shared>> -> memref<10000x128xf32, #tpu.memory_space<vmem_shared>>
            tpu.wait_indirect_dma semaphore(%run_scoped3A : memref<!tpu.dma_semaphore, #tpu.memory_space<semaphore_mem>>) src(%arg9 : memref<128x128xf32, #tpu.memory_space<vmem>>) dst(%dma_wait3A_41 : memref<10000x128xf32, #tpu.memory_space<vmem_shared>>)
            tpu.yield
          }) : () -> ()
        } else {
        }
      }
      %scan3A_28 = arith.constant 157 : i32
    } else {
    }
    %barrier3A_13 = arith.constant 0 : index
    tpu.barrier barrier_id(%barrier3A_13)
    %eq3A_14 = arith.constant 0 : i32
    %eq3A_15 = arith.cmpi eq, %arg0, %eq3A_14 : i32
    %convert_element_type3A_16 = arith.extui %eq3A_15 : i1 to i32
    %cond3A_17 = arith.constant 0 : i32
    %cond3A_18 = arith.cmpi ne, %convert_element_type3A_16, %cond3A_17 : i32
    scf.if %cond3A_18 {
      "tpu.region"() ({
        %run_scoped3A = tpu.sem_alloc : memref<!tpu.dma_semaphore, #tpu.memory_space<semaphore_mem>>
        %dma_start3A = arith.constant 0 : i32
        %dma_start3A_29 = tpu.memref_slice %arg6[%mul3A_0, %dma_start3A] : memref<10000x128xf32, #tpu.memory_space<hbm>> -> memref<624x128xf32, #tpu.memory_space<hbm>>
        %dma_start3A_30 = arith.constant 0 : i32
        %dma_start3A_31 = tpu.memref_slice %arg10[%mul3A_0, %dma_start3A_30] : memref<10000x128xf32, #tpu.memory_space<vmem_shared>> -> memref<624x128xf32, #tpu.memory_space<vmem_shared>>
        tpu.enqueue_dma source(%dma_start3A_31 : memref<624x128xf32, #tpu.memory_space<vmem_shared>>) target(%dma_start3A_29 : memref<624x128xf32, #tpu.memory_space<hbm>>) target_semaphore(%run_scoped3A : memref<!tpu.dma_semaphore, #tpu.memory_space<semaphore_mem>>)
        %dma_wait3A = arith.constant 0 : i32
        %dma_wait3A_32 = tpu.memref_slice %arg6[%mul3A_0, %dma_wait3A] : memref<10000x128xf32, #tpu.memory_space<hbm>> -> memref<624x128xf32, #tpu.memory_space<hbm>>
        %dma_wait3A_33 = arith.constant 0 : i32
        %dma_wait3A_34 = tpu.memref_slice %arg10[%mul3A_0, %dma_wait3A_33] : memref<10000x128xf32, #tpu.memory_space<vmem_shared>> -> memref<624x128xf32, #tpu.memory_space<vmem_shared>>
        tpu.wait_dma2 semaphore(%run_scoped3A : memref<!tpu.dma_semaphore, #tpu.memory_space<semaphore_mem>>) src(%dma_wait3A_34 : memref<624x128xf32, #tpu.memory_space<vmem_shared>>) dst(%dma_wait3A_32 : memref<624x128xf32, #tpu.memory_space<hbm>>)
        tpu.yield
      }) : () -> ()
      %eq3A_24 = arith.constant 0 : i32
      %eq3A_25 = arith.cmpi eq, %arg1, %eq3A_24 : i32
      %convert_element_type3A_26 = arith.extui %eq3A_25 : i1 to i32
      %cond3A_27 = arith.constant 0 : i32
      %cond3A_28 = arith.cmpi ne, %convert_element_type3A_26, %cond3A_27 : i32
      scf.if %cond3A_28 {
        "tpu.region"() ({
          %run_scoped3A = tpu.sem_alloc : memref<!tpu.dma_semaphore, #tpu.memory_space<semaphore_mem>>
          %dma_start3A = arith.constant 9984 : i32
          %dma_start3A_29 = arith.constant 0 : i32
          %dma_start3A_30 = tpu.memref_slice %arg6[%dma_start3A, %dma_start3A_29] : memref<10000x128xf32, #tpu.memory_space<hbm>> -> memref<16x128xf32, #tpu.memory_space<hbm>>
          %dma_start3A_31 = arith.constant 9984 : i32
          %dma_start3A_32 = arith.constant 0 : i32
          %dma_start3A_33 = tpu.memref_slice %arg10[%dma_start3A_31, %dma_start3A_32] : memref<10000x128xf32, #tpu.memory_space<vmem_shared>> -> memref<16x128xf32, #tpu.memory_space<vmem_shared>>
          tpu.enqueue_dma source(%dma_start3A_33 : memref<16x128xf32, #tpu.memory_space<vmem_shared>>) target(%dma_start3A_30 : memref<16x128xf32, #tpu.memory_space<hbm>>) target_semaphore(%run_scoped3A : memref<!tpu.dma_semaphore, #tpu.memory_space<semaphore_mem>>)
          %dma_wait3A = arith.constant 9984 : i32
          %dma_wait3A_34 = arith.constant 0 : i32
          %dma_wait3A_35 = tpu.memref_slice %arg6[%dma_wait3A, %dma_wait3A_34] : memref<10000x128xf32, #tpu.memory_space<hbm>> -> memref<16x128xf32, #tpu.memory_space<hbm>>
          %dma_wait3A_36 = arith.constant 9984 : i32
          %dma_wait3A_37 = arith.constant 0 : i32
          %dma_wait3A_38 = tpu.memref_slice %arg10[%dma_wait3A_36, %dma_wait3A_37] : memref<10000x128xf32, #tpu.memory_space<vmem_shared>> -> memref<16x128xf32, #tpu.memory_space<vmem_shared>>
          tpu.wait_dma2 semaphore(%run_scoped3A : memref<!tpu.dma_semaphore, #tpu.memory_space<semaphore_mem>>) src(%dma_wait3A_38 : memref<16x128xf32, #tpu.memory_space<vmem_shared>>) dst(%dma_wait3A_35 : memref<16x128xf32, #tpu.memory_space<hbm>>)
          tpu.yield
        }) : () -> ()
      } else {
      }
    } else {
    }
    %eq3A_19 = arith.constant 1 : i32
    %eq3A_20 = arith.cmpi eq, %arg0, %eq3A_19 : i32
    %convert_element_type3A_21 = arith.extui %eq3A_20 : i1 to i32
    %cond3A_22 = arith.constant 0 : i32
    %cond3A_23 = arith.cmpi ne, %convert_element_type3A_21, %cond3A_22 : i32
    scf.if %cond3A_23 {
      "tpu.region"() ({
        %run_scoped3A = tpu.sem_alloc : memref<!tpu.dma_semaphore, #tpu.memory_space<semaphore_mem>>
        %dma_start3A = arith.constant 0 : i32
        %dma_start3A_29 = tpu.memref_slice %arg7[%mul3A_0, %dma_start3A] : memref<10000x128xf32, #tpu.memory_space<hbm>> -> memref<624x128xf32, #tpu.memory_space<hbm>>
        %dma_start3A_30 = arith.constant 0 : i32
        %dma_start3A_31 = tpu.memref_slice %arg10[%mul3A_0, %dma_start3A_30] : memref<10000x128xf32, #tpu.memory_space<vmem_shared>> -> memref<624x128xf32, #tpu.memory_space<vmem_shared>>
        tpu.enqueue_dma source(%dma_start3A_31 : memref<624x128xf32, #tpu.memory_space<vmem_shared>>) target(%dma_start3A_29 : memref<624x128xf32, #tpu.memory_space<hbm>>) target_semaphore(%run_scoped3A : memref<!tpu.dma_semaphore, #tpu.memory_space<semaphore_mem>>)
        %dma_wait3A = arith.constant 0 : i32
        %dma_wait3A_32 = tpu.memref_slice %arg7[%mul3A_0, %dma_wait3A] : memref<10000x128xf32, #tpu.memory_space<hbm>> -> memref<624x128xf32, #tpu.memory_space<hbm>>
        %dma_wait3A_33 = arith.constant 0 : i32
        %dma_wait3A_34 = tpu.memref_slice %arg10[%mul3A_0, %dma_wait3A_33] : memref<10000x128xf32, #tpu.memory_space<vmem_shared>> -> memref<624x128xf32, #tpu.memory_space<vmem_shared>>
        tpu.wait_dma2 semaphore(%run_scoped3A : memref<!tpu.dma_semaphore, #tpu.memory_space<semaphore_mem>>) src(%dma_wait3A_34 : memref<624x128xf32, #tpu.memory_space<vmem_shared>>) dst(%dma_wait3A_32 : memref<624x128xf32, #tpu.memory_space<hbm>>)
        tpu.yield
      }) : () -> ()
      %eq3A_24 = arith.constant 0 : i32
      %eq3A_25 = arith.cmpi eq, %arg1, %eq3A_24 : i32
      %convert_element_type3A_26 = arith.extui %eq3A_25 : i1 to i32
      %cond3A_27 = arith.constant 0 : i32
      %cond3A_28 = arith.cmpi ne, %convert_element_type3A_26, %cond3A_27 : i32
      scf.if %cond3A_28 {
        "tpu.region"() ({
          %run_scoped3A = tpu.sem_alloc : memref<!tpu.dma_semaphore, #tpu.memory_space<semaphore_mem>>
          %dma_start3A = arith.constant 9984 : i32
          %dma_start3A_29 = arith.constant 0 : i32
          %dma_start3A_30 = tpu.memref_slice %arg7[%dma_start3A, %dma_start3A_29] : memref<10000x128xf32, #tpu.memory_space<hbm>> -> memref<16x128xf32, #tpu.memory_space<hbm>>
          %dma_start3A_31 = arith.constant 9984 : i32
          %dma_start3A_32 = arith.constant 0 : i32
          %dma_start3A_33 = tpu.memref_slice %arg10[%dma_start3A_31, %dma_start3A_32] : memref<10000x128xf32, #tpu.memory_space<vmem_shared>> -> memref<16x128xf32, #tpu.memory_space<vmem_shared>>
          tpu.enqueue_dma source(%dma_start3A_33 : memref<16x128xf32, #tpu.memory_space<vmem_shared>>) target(%dma_start3A_30 : memref<16x128xf32, #tpu.memory_space<hbm>>) target_semaphore(%run_scoped3A : memref<!tpu.dma_semaphore, #tpu.memory_space<semaphore_mem>>)
          %dma_wait3A = arith.constant 9984 : i32
          %dma_wait3A_34 = arith.constant 0 : i32
          %dma_wait3A_35 = tpu.memref_slice %arg7[%dma_wait3A, %dma_wait3A_34] : memref<10000x128xf32, #tpu.memory_space<hbm>> -> memref<16x128xf32, #tpu.memory_space<hbm>>
          %dma_wait3A_36 = arith.constant 9984 : i32
          %dma_wait3A_37 = arith.constant 0 : i32
          %dma_wait3A_38 = tpu.memref_slice %arg10[%dma_wait3A_36, %dma_wait3A_37] : memref<10000x128xf32, #tpu.memory_space<vmem_shared>> -> memref<16x128xf32, #tpu.memory_space<vmem_shared>>
          tpu.wait_dma2 semaphore(%run_scoped3A : memref<!tpu.dma_semaphore, #tpu.memory_space<semaphore_mem>>) src(%dma_wait3A_38 : memref<16x128xf32, #tpu.memory_space<vmem_shared>>) dst(%dma_wait3A_35 : memref<16x128xf32, #tpu.memory_space<hbm>>)
          tpu.yield
        }) : () -> ()
      } else {
      }
    } else {
    }
    return
  }
}

#map = affine_map<(d0, d1) -> (0, 0)>
#map1 = affine_map<(d0, d1) -> (0)>
module attributes {stable_mosaic.version = 14 : i64} {
  func.func @run(%arg0: i32, %arg1: i32, %arg2: memref<10000x128xf32, #tpu.memory_space<hbm>>, %arg3: memref<10000x128xf32, #tpu.memory_space<hbm>>, %arg4: memref<320000xi32, #tpu.memory_space<hbm>>, %arg5: memref<320000xi32, #tpu.memory_space<hbm>>, %arg6: memref<320000x128xf32, #tpu.memory_space<hbm>>, %arg7: memref<320000x128xf32, #tpu.memory_space<hbm>>, %arg8: memref<128xi32, #tpu.memory_space<vmem>>, %arg9: memref<128xi32, #tpu.memory_space<vmem>>, %arg10: memref<128x128xf32, #tpu.memory_space<vmem>>, %arg11: memref<128x128xf32, #tpu.memory_space<vmem>>, %arg12: memref<!tpu.dma_semaphore, #tpu.memory_space<semaphore_mem>>, %arg13: memref<!tpu.dma_semaphore, #tpu.memory_space<semaphore_mem>>) attributes {dimension_semantics = [#tpu.dimension_semantics<core_parallel>, #tpu.dimension_semantics<subcore_parallel>], iteration_bounds = array<i64: 2, 16>, scalar_prefetch = 0 : i64, scratch_operands = 6 : i64, tpu.core_type = #tpu.core_type<sc_vector_subcore>, window_params = [{transform_indices = #map}, {transform_indices = #map}, {transform_indices = #map1}, {transform_indices = #map1}, {transform_indices = #map}, {transform_indices = #map}]} {
    %mul3A = arith.constant 2 : i32
    %mul3A_0 = arith.muli %arg1, %mul3A : i32
    %add3A = arith.addi %mul3A_0, %arg0 : i32
    %scan3A = arith.constant 0 : i32
    %scan3A_1 = arith.constant 0 : i32
    %scan3A_2 = arith.constant 79 : i32
    %scan3A_3 = arith.addi %scan3A_1, %scan3A_2 : i32
    %scan3A_4 = arith.constant 1 : i32
    scf.for %scan3A_6 = %scan3A_1 to %scan3A_3 step %scan3A_4  : i32 {
      %mul3A_7 = arith.constant 32 : i32
      %mul3A_8 = arith.muli %scan3A_6, %mul3A_7 : i32
      %add3A_9 = arith.addi %add3A, %mul3A_8 : i32
      %lt3A = arith.constant 2500 : i32
      %lt3A_10 = arith.cmpi slt, %add3A_9, %lt3A : i32
      %convert_element_type3A = arith.extui %lt3A_10 : i1 to i32
      %cond3A = arith.constant 0 : i32
      %cond3A_11 = arith.cmpi ne, %convert_element_type3A, %cond3A : i32
      scf.if %cond3A_11 {
        %mul3A_12 = arith.constant 128 : i32
        %mul3A_13 = arith.muli %add3A_9, %mul3A_12 : i32
        "tpu.region"() ({
          %run_scoped3A = tpu.sem_alloc : memref<!tpu.dma_semaphore, #tpu.memory_space<semaphore_mem>>
          %dma_start3A_24 = tpu.memref_slice %arg4[%mul3A_13] : memref<320000xi32, #tpu.memory_space<hbm>> -> memref<128xi32, #tpu.memory_space<hbm>>
          %dma_start3A_25 = tpu.memref_slice %arg4[%mul3A_13] : memref<320000xi32, #tpu.memory_space<hbm>> -> memref<128xi32, #tpu.memory_space<hbm>>
          tpu.enqueue_dma source(%dma_start3A_25 : memref<128xi32, #tpu.memory_space<hbm>>) target(%arg8 : memref<128xi32, #tpu.memory_space<vmem>>) target_semaphore(%run_scoped3A : memref<!tpu.dma_semaphore, #tpu.memory_space<semaphore_mem>>)
          %dma_wait3A_26 = tpu.memref_slice %arg4[%mul3A_13] : memref<320000xi32, #tpu.memory_space<hbm>> -> memref<128xi32, #tpu.memory_space<hbm>>
          %dma_wait3A_27 = tpu.memref_slice %arg4[%mul3A_13] : memref<320000xi32, #tpu.memory_space<hbm>> -> memref<128xi32, #tpu.memory_space<hbm>>
          tpu.wait_dma2 semaphore(%run_scoped3A : memref<!tpu.dma_semaphore, #tpu.memory_space<semaphore_mem>>) src(%dma_wait3A_27 : memref<128xi32, #tpu.memory_space<hbm>>) dst(%arg8 : memref<128xi32, #tpu.memory_space<vmem>>)
          tpu.yield
        }) : () -> ()
        "tpu.region"() ({
          %run_scoped3A = tpu.sem_alloc : memref<!tpu.dma_semaphore, #tpu.memory_space<semaphore_mem>>
          %dma_start3A_24 = tpu.memref_slice %arg5[%mul3A_13] : memref<320000xi32, #tpu.memory_space<hbm>> -> memref<128xi32, #tpu.memory_space<hbm>>
          %dma_start3A_25 = tpu.memref_slice %arg5[%mul3A_13] : memref<320000xi32, #tpu.memory_space<hbm>> -> memref<128xi32, #tpu.memory_space<hbm>>
          tpu.enqueue_dma source(%dma_start3A_25 : memref<128xi32, #tpu.memory_space<hbm>>) target(%arg9 : memref<128xi32, #tpu.memory_space<vmem>>) target_semaphore(%run_scoped3A : memref<!tpu.dma_semaphore, #tpu.memory_space<semaphore_mem>>)
          %dma_wait3A_26 = tpu.memref_slice %arg5[%mul3A_13] : memref<320000xi32, #tpu.memory_space<hbm>> -> memref<128xi32, #tpu.memory_space<hbm>>
          %dma_wait3A_27 = tpu.memref_slice %arg5[%mul3A_13] : memref<320000xi32, #tpu.memory_space<hbm>> -> memref<128xi32, #tpu.memory_space<hbm>>
          tpu.wait_dma2 semaphore(%run_scoped3A : memref<!tpu.dma_semaphore, #tpu.memory_space<semaphore_mem>>) src(%dma_wait3A_27 : memref<128xi32, #tpu.memory_space<hbm>>) dst(%arg9 : memref<128xi32, #tpu.memory_space<vmem>>)
          tpu.yield
        }) : () -> ()
        %dma_start3A = arith.constant 0 : i32
        %dma_start3A_14 = arith.constant 0 : i32
        %dma_start3A_15 = tpu.memref_slice %arg2[%dma_start3A, %dma_start3A_14] : memref<10000x128xf32, #tpu.memory_space<hbm>> -> memref<10000x128xf32, #tpu.memory_space<hbm>>
        tpu.enqueue_indirect_dma source(%dma_start3A_15 : memref<10000x128xf32, #tpu.memory_space<hbm>>) target(%arg10 : memref<128x128xf32, #tpu.memory_space<vmem>>) offsets(%arg8 : memref<128xi32, #tpu.memory_space<vmem>>) semaphore(%arg12 : memref<!tpu.dma_semaphore, #tpu.memory_space<semaphore_mem>>)
        %dma_start3A_16 = arith.constant 0 : i32
        %dma_start3A_17 = arith.constant 0 : i32
        %dma_start3A_18 = tpu.memref_slice %arg3[%dma_start3A_16, %dma_start3A_17] : memref<10000x128xf32, #tpu.memory_space<hbm>> -> memref<10000x128xf32, #tpu.memory_space<hbm>>
        tpu.enqueue_indirect_dma source(%dma_start3A_18 : memref<10000x128xf32, #tpu.memory_space<hbm>>) target(%arg11 : memref<128x128xf32, #tpu.memory_space<vmem>>) offsets(%arg9 : memref<128xi32, #tpu.memory_space<vmem>>) semaphore(%arg13 : memref<!tpu.dma_semaphore, #tpu.memory_space<semaphore_mem>>)
        %dma_wait3A = arith.constant 0 : i32
        %dma_wait3A_19 = arith.constant 0 : i32
        %dma_wait3A_20 = tpu.memref_slice %arg2[%dma_wait3A, %dma_wait3A_19] : memref<10000x128xf32, #tpu.memory_space<hbm>> -> memref<10000x128xf32, #tpu.memory_space<hbm>>
        tpu.wait_indirect_dma semaphore(%arg12 : memref<!tpu.dma_semaphore, #tpu.memory_space<semaphore_mem>>) src(%dma_wait3A_20 : memref<10000x128xf32, #tpu.memory_space<hbm>>) dst(%arg10 : memref<128x128xf32, #tpu.memory_space<vmem>>)
        %dma_wait3A_21 = arith.constant 0 : i32
        %dma_wait3A_22 = arith.constant 0 : i32
        %dma_wait3A_23 = tpu.memref_slice %arg3[%dma_wait3A_21, %dma_wait3A_22] : memref<10000x128xf32, #tpu.memory_space<hbm>> -> memref<10000x128xf32, #tpu.memory_space<hbm>>
        tpu.wait_indirect_dma semaphore(%arg13 : memref<!tpu.dma_semaphore, #tpu.memory_space<semaphore_mem>>) src(%dma_wait3A_23 : memref<10000x128xf32, #tpu.memory_space<hbm>>) dst(%arg11 : memref<128x128xf32, #tpu.memory_space<vmem>>)
        "tpu.region"() ({
          %run_scoped3A = tpu.sem_alloc : memref<!tpu.dma_semaphore, #tpu.memory_space<semaphore_mem>>
          %dma_start3A_24 = arith.constant 0 : i32
          %dma_start3A_25 = tpu.memref_slice %arg6[%mul3A_13, %dma_start3A_24] : memref<320000x128xf32, #tpu.memory_space<hbm>> -> memref<128x128xf32, #tpu.memory_space<hbm>>
          %dma_start3A_26 = arith.constant 0 : i32
          %dma_start3A_27 = tpu.memref_slice %arg6[%mul3A_13, %dma_start3A_26] : memref<320000x128xf32, #tpu.memory_space<hbm>> -> memref<128x128xf32, #tpu.memory_space<hbm>>
          tpu.enqueue_dma source(%arg10 : memref<128x128xf32, #tpu.memory_space<vmem>>) target(%dma_start3A_27 : memref<128x128xf32, #tpu.memory_space<hbm>>) target_semaphore(%run_scoped3A : memref<!tpu.dma_semaphore, #tpu.memory_space<semaphore_mem>>)
          %dma_wait3A_28 = arith.constant 0 : i32
          %dma_wait3A_29 = tpu.memref_slice %arg6[%mul3A_13, %dma_wait3A_28] : memref<320000x128xf32, #tpu.memory_space<hbm>> -> memref<128x128xf32, #tpu.memory_space<hbm>>
          %dma_wait3A_30 = arith.constant 0 : i32
          %dma_wait3A_31 = tpu.memref_slice %arg6[%mul3A_13, %dma_wait3A_30] : memref<320000x128xf32, #tpu.memory_space<hbm>> -> memref<128x128xf32, #tpu.memory_space<hbm>>
          tpu.wait_dma2 semaphore(%run_scoped3A : memref<!tpu.dma_semaphore, #tpu.memory_space<semaphore_mem>>) src(%arg10 : memref<128x128xf32, #tpu.memory_space<vmem>>) dst(%dma_wait3A_31 : memref<128x128xf32, #tpu.memory_space<hbm>>)
          tpu.yield
        }) : () -> ()
        "tpu.region"() ({
          %run_scoped3A = tpu.sem_alloc : memref<!tpu.dma_semaphore, #tpu.memory_space<semaphore_mem>>
          %dma_start3A_24 = arith.constant 0 : i32
          %dma_start3A_25 = tpu.memref_slice %arg7[%mul3A_13, %dma_start3A_24] : memref<320000x128xf32, #tpu.memory_space<hbm>> -> memref<128x128xf32, #tpu.memory_space<hbm>>
          %dma_start3A_26 = arith.constant 0 : i32
          %dma_start3A_27 = tpu.memref_slice %arg7[%mul3A_13, %dma_start3A_26] : memref<320000x128xf32, #tpu.memory_space<hbm>> -> memref<128x128xf32, #tpu.memory_space<hbm>>
          tpu.enqueue_dma source(%arg11 : memref<128x128xf32, #tpu.memory_space<vmem>>) target(%dma_start3A_27 : memref<128x128xf32, #tpu.memory_space<hbm>>) target_semaphore(%run_scoped3A : memref<!tpu.dma_semaphore, #tpu.memory_space<semaphore_mem>>)
          %dma_wait3A_28 = arith.constant 0 : i32
          %dma_wait3A_29 = tpu.memref_slice %arg7[%mul3A_13, %dma_wait3A_28] : memref<320000x128xf32, #tpu.memory_space<hbm>> -> memref<128x128xf32, #tpu.memory_space<hbm>>
          %dma_wait3A_30 = arith.constant 0 : i32
          %dma_wait3A_31 = tpu.memref_slice %arg7[%mul3A_13, %dma_wait3A_30] : memref<320000x128xf32, #tpu.memory_space<hbm>> -> memref<128x128xf32, #tpu.memory_space<hbm>>
          tpu.wait_dma2 semaphore(%run_scoped3A : memref<!tpu.dma_semaphore, #tpu.memory_space<semaphore_mem>>) src(%arg11 : memref<128x128xf32, #tpu.memory_space<vmem>>) dst(%dma_wait3A_31 : memref<128x128xf32, #tpu.memory_space<hbm>>)
          tpu.yield
        }) : () -> ()
      } else {
      }
    }
    %scan3A_5 = arith.constant 79 : i32
    return
  }
}

#map = affine_map<(d0, d1) -> (0, 0)>
#map1 = affine_map<(d0, d1) -> (0)>
module attributes {stable_mosaic.version = 14 : i64} {
  func.func @run(%arg0: i32, %arg1: i32, %arg2: memref<320000x128xf32, #tpu.memory_space<hbm>>, %arg3: memref<320000xi32, #tpu.memory_space<hbm>>, %arg4: memref<320000xi32, #tpu.memory_space<hbm>>, %arg5: memref<10000x128xf32, #tpu.memory_space<hbm>>, %arg6: memref<10000x128xf32, #tpu.memory_space<hbm>>, %arg7: memref<10000x128xf32, #tpu.memory_space<hbm>>, %arg8: memref<128xi32, #tpu.memory_space<vmem>>, %arg9: memref<128x128xf32, #tpu.memory_space<vmem>>, %arg10: memref<10000x128xf32, #tpu.memory_space<vmem_shared>>) attributes {dimension_semantics = [#tpu.dimension_semantics<core_parallel>, #tpu.dimension_semantics<subcore_parallel>], iteration_bounds = array<i64: 2, 16>, scalar_prefetch = 0 : i64, scratch_operands = 3 : i64, tpu.core_type = #tpu.core_type<sc_vector_subcore>, window_params = [{transform_indices = #map}, {transform_indices = #map1}, {transform_indices = #map1}, {transform_indices = #map}, {transform_indices = #map}, {transform_indices = #map}]} {
    %mul3A = arith.constant 624 : i32
    %mul3A_0 = arith.muli %arg1, %mul3A : i32
    "tpu.region"() ({
      %run_scoped3A = tpu.sem_alloc : memref<!tpu.dma_semaphore, #tpu.memory_space<semaphore_mem>>
      %dma_start3A = arith.constant 0 : i32
      %dma_start3A_24 = tpu.memref_slice %arg10[%mul3A_0, %dma_start3A] : memref<10000x128xf32, #tpu.memory_space<vmem_shared>> -> memref<624x128xf32, #tpu.memory_space<vmem_shared>>
      %dma_start3A_25 = arith.constant 0 : i32
      %dma_start3A_26 = tpu.memref_slice %arg5[%mul3A_0, %dma_start3A_25] : memref<10000x128xf32, #tpu.memory_space<hbm>> -> memref<624x128xf32, #tpu.memory_space<hbm>>
      tpu.enqueue_dma source(%dma_start3A_26 : memref<624x128xf32, #tpu.memory_space<hbm>>) target(%dma_start3A_24 : memref<624x128xf32, #tpu.memory_space<vmem_shared>>) target_semaphore(%run_scoped3A : memref<!tpu.dma_semaphore, #tpu.memory_space<semaphore_mem>>)
      %dma_wait3A = arith.constant 0 : i32
      %dma_wait3A_27 = tpu.memref_slice %arg10[%mul3A_0, %dma_wait3A] : memref<10000x128xf32, #tpu.memory_space<vmem_shared>> -> memref<624x128xf32, #tpu.memory_space<vmem_shared>>
      %dma_wait3A_28 = arith.constant 0 : i32
      %dma_wait3A_29 = tpu.memref_slice %arg5[%mul3A_0, %dma_wait3A_28] : memref<10000x128xf32, #tpu.memory_space<hbm>> -> memref<624x128xf32, #tpu.memory_space<hbm>>
      tpu.wait_dma2 semaphore(%run_scoped3A : memref<!tpu.dma_semaphore, #tpu.memory_space<semaphore_mem>>) src(%dma_wait3A_29 : memref<624x128xf32, #tpu.memory_space<hbm>>) dst(%dma_wait3A_27 : memref<624x128xf32, #tpu.memory_space<vmem_shared>>)
      tpu.yield
    }) : () -> ()
    %eq3A = arith.constant 0 : i32
    %eq3A_1 = arith.cmpi eq, %arg1, %eq3A : i32
    %convert_element_type3A = arith.extui %eq3A_1 : i1 to i32
    %cond3A = arith.constant 0 : i32
    %cond3A_2 = arith.cmpi ne, %convert_element_type3A, %cond3A : i32
    scf.if %cond3A_2 {
      "tpu.region"() ({
        %run_scoped3A = tpu.sem_alloc : memref<!tpu.dma_semaphore, #tpu.memory_space<semaphore_mem>>
        %dma_start3A = arith.constant 9984 : i32
        %dma_start3A_24 = arith.constant 0 : i32
        %dma_start3A_25 = tpu.memref_slice %arg10[%dma_start3A, %dma_start3A_24] : memref<10000x128xf32, #tpu.memory_space<vmem_shared>> -> memref<16x128xf32, #tpu.memory_space<vmem_shared>>
        %dma_start3A_26 = arith.constant 9984 : i32
        %dma_start3A_27 = arith.constant 0 : i32
        %dma_start3A_28 = tpu.memref_slice %arg5[%dma_start3A_26, %dma_start3A_27] : memref<10000x128xf32, #tpu.memory_space<hbm>> -> memref<16x128xf32, #tpu.memory_space<hbm>>
        tpu.enqueue_dma source(%dma_start3A_28 : memref<16x128xf32, #tpu.memory_space<hbm>>) target(%dma_start3A_25 : memref<16x128xf32, #tpu.memory_space<vmem_shared>>) target_semaphore(%run_scoped3A : memref<!tpu.dma_semaphore, #tpu.memory_space<semaphore_mem>>)
        %dma_wait3A = arith.constant 9984 : i32
        %dma_wait3A_29 = arith.constant 0 : i32
        %dma_wait3A_30 = tpu.memref_slice %arg10[%dma_wait3A, %dma_wait3A_29] : memref<10000x128xf32, #tpu.memory_space<vmem_shared>> -> memref<16x128xf32, #tpu.memory_space<vmem_shared>>
        %dma_wait3A_31 = arith.constant 9984 : i32
        %dma_wait3A_32 = arith.constant 0 : i32
        %dma_wait3A_33 = tpu.memref_slice %arg5[%dma_wait3A_31, %dma_wait3A_32] : memref<10000x128xf32, #tpu.memory_space<hbm>> -> memref<16x128xf32, #tpu.memory_space<hbm>>
        tpu.wait_dma2 semaphore(%run_scoped3A : memref<!tpu.dma_semaphore, #tpu.memory_space<semaphore_mem>>) src(%dma_wait3A_33 : memref<16x128xf32, #tpu.memory_space<hbm>>) dst(%dma_wait3A_30 : memref<16x128xf32, #tpu.memory_space<vmem_shared>>)
        tpu.yield
      }) : () -> ()
    } else {
    }
    %barrier3A = arith.constant 0 : index
    tpu.barrier barrier_id(%barrier3A)
    %eq3A_3 = arith.constant 0 : i32
    %eq3A_4 = arith.cmpi eq, %arg0, %eq3A_3 : i32
    %convert_element_type3A_5 = arith.extui %eq3A_4 : i1 to i32
    %cond3A_6 = arith.constant 0 : i32
    %cond3A_7 = arith.cmpi ne, %convert_element_type3A_5, %cond3A_6 : i32
    scf.if %cond3A_7 {
      %scan3A = arith.constant 0 : i32
      %scan3A_24 = arith.constant 0 : i32
      %scan3A_25 = arith.constant 157 : i32
      %scan3A_26 = arith.addi %scan3A_24, %scan3A_25 : i32
      %scan3A_27 = arith.constant 1 : i32
      scf.for %scan3A_29 = %scan3A_24 to %scan3A_26 step %scan3A_27  : i32 {
        %mul3A_30 = arith.constant 16 : i32
        %mul3A_31 = arith.muli %scan3A_29, %mul3A_30 : i32
        %add3A = arith.addi %arg1, %mul3A_31 : i32
        %lt3A = arith.constant 2500 : i32
        %lt3A_32 = arith.cmpi slt, %add3A, %lt3A : i32
        %convert_element_type3A_33 = arith.extui %lt3A_32 : i1 to i32
        %cond3A_34 = arith.constant 0 : i32
        %cond3A_35 = arith.cmpi ne, %convert_element_type3A_33, %cond3A_34 : i32
        scf.if %cond3A_35 {
          %mul3A_36 = arith.constant 128 : i32
          %mul3A_37 = arith.muli %add3A, %mul3A_36 : i32
          "tpu.region"() ({
            %run_scoped3A = tpu.sem_alloc : memref<!tpu.dma_semaphore, #tpu.memory_space<semaphore_mem>>
            %dma_start3A = tpu.memref_slice %arg3[%mul3A_37] : memref<320000xi32, #tpu.memory_space<hbm>> -> memref<128xi32, #tpu.memory_space<hbm>>
            %dma_start3A_38 = tpu.memref_slice %arg3[%mul3A_37] : memref<320000xi32, #tpu.memory_space<hbm>> -> memref<128xi32, #tpu.memory_space<hbm>>
            tpu.enqueue_dma source(%dma_start3A_38 : memref<128xi32, #tpu.memory_space<hbm>>) target(%arg8 : memref<128xi32, #tpu.memory_space<vmem>>) target_semaphore(%run_scoped3A : memref<!tpu.dma_semaphore, #tpu.memory_space<semaphore_mem>>)
            %dma_wait3A = tpu.memref_slice %arg3[%mul3A_37] : memref<320000xi32, #tpu.memory_space<hbm>> -> memref<128xi32, #tpu.memory_space<hbm>>
            %dma_wait3A_39 = tpu.memref_slice %arg3[%mul3A_37] : memref<320000xi32, #tpu.memory_space<hbm>> -> memref<128xi32, #tpu.memory_space<hbm>>
            tpu.wait_dma2 semaphore(%run_scoped3A : memref<!tpu.dma_semaphore, #tpu.memory_space<semaphore_mem>>) src(%dma_wait3A_39 : memref<128xi32, #tpu.memory_space<hbm>>) dst(%arg8 : memref<128xi32, #tpu.memory_space<vmem>>)
            tpu.yield
          }) : () -> ()
          "tpu.region"() ({
            %run_scoped3A = tpu.sem_alloc : memref<!tpu.dma_semaphore, #tpu.memory_space<semaphore_mem>>
            %dma_start3A = arith.constant 0 : i32
            %dma_start3A_38 = tpu.memref_slice %arg2[%mul3A_37, %dma_start3A] : memref<320000x128xf32, #tpu.memory_space<hbm>> -> memref<128x128xf32, #tpu.memory_space<hbm>>
            %dma_start3A_39 = arith.constant 0 : i32
            %dma_start3A_40 = tpu.memref_slice %arg2[%mul3A_37, %dma_start3A_39] : memref<320000x128xf32, #tpu.memory_space<hbm>> -> memref<128x128xf32, #tpu.memory_space<hbm>>
            tpu.enqueue_dma source(%dma_start3A_40 : memref<128x128xf32, #tpu.memory_space<hbm>>) target(%arg9 : memref<128x128xf32, #tpu.memory_space<vmem>>) target_semaphore(%run_scoped3A : memref<!tpu.dma_semaphore, #tpu.memory_space<semaphore_mem>>)
            %dma_wait3A = arith.constant 0 : i32
            %dma_wait3A_41 = tpu.memref_slice %arg2[%mul3A_37, %dma_wait3A] : memref<320000x128xf32, #tpu.memory_space<hbm>> -> memref<128x128xf32, #tpu.memory_space<hbm>>
            %dma_wait3A_42 = arith.constant 0 : i32
            %dma_wait3A_43 = tpu.memref_slice %arg2[%mul3A_37, %dma_wait3A_42] : memref<320000x128xf32, #tpu.memory_space<hbm>> -> memref<128x128xf32, #tpu.memory_space<hbm>>
            tpu.wait_dma2 semaphore(%run_scoped3A : memref<!tpu.dma_semaphore, #tpu.memory_space<semaphore_mem>>) src(%dma_wait3A_43 : memref<128x128xf32, #tpu.memory_space<hbm>>) dst(%arg9 : memref<128x128xf32, #tpu.memory_space<vmem>>)
            tpu.yield
          }) : () -> ()
          "tpu.region"() ({
            %run_scoped3A = tpu.sem_alloc : memref<!tpu.dma_semaphore, #tpu.memory_space<semaphore_mem>>
            %dma_start3A = arith.constant 0 : i32
            %dma_start3A_38 = arith.constant 0 : i32
            %dma_start3A_39 = tpu.memref_slice %arg10[%dma_start3A, %dma_start3A_38] : memref<10000x128xf32, #tpu.memory_space<vmem_shared>> -> memref<10000x128xf32, #tpu.memory_space<vmem_shared>>
            tpu.enqueue_indirect_dma source(%arg9 : memref<128x128xf32, #tpu.memory_space<vmem>>) target(%dma_start3A_39 : memref<10000x128xf32, #tpu.memory_space<vmem_shared>>) offsets(%arg8 : memref<128xi32, #tpu.memory_space<vmem>>) semaphore(%run_scoped3A : memref<!tpu.dma_semaphore, #tpu.memory_space<semaphore_mem>>) {add = true}
            %dma_wait3A = arith.constant 0 : i32
            %dma_wait3A_40 = arith.constant 0 : i32
            %dma_wait3A_41 = tpu.memref_slice %arg10[%dma_wait3A, %dma_wait3A_40] : memref<10000x128xf32, #tpu.memory_space<vmem_shared>> -> memref<10000x128xf32, #tpu.memory_space<vmem_shared>>
            tpu.wait_indirect_dma semaphore(%run_scoped3A : memref<!tpu.dma_semaphore, #tpu.memory_space<semaphore_mem>>) src(%arg9 : memref<128x128xf32, #tpu.memory_space<vmem>>) dst(%dma_wait3A_41 : memref<10000x128xf32, #tpu.memory_space<vmem_shared>>)
            tpu.yield
          }) : () -> ()
        } else {
        }
      }
      %scan3A_28 = arith.constant 157 : i32
    } else {
    }
    %eq3A_8 = arith.constant 1 : i32
    %eq3A_9 = arith.cmpi eq, %arg0, %eq3A_8 : i32
    %convert_element_type3A_10 = arith.extui %eq3A_9 : i1 to i32
    %cond3A_11 = arith.constant 0 : i32
    %cond3A_12 = arith.cmpi ne, %convert_element_type3A_10, %cond3A_11 : i32
    scf.if %cond3A_12 {
      %scan3A = arith.constant 0 : i32
      %scan3A_24 = arith.constant 0 : i32
      %scan3A_25 = arith.constant 157 : i32
      %scan3A_26 = arith.addi %scan3A_24, %scan3A_25 : i32
      %scan3A_27 = arith.constant 1 : i32
      scf.for %scan3A_29 = %scan3A_24 to %scan3A_26 step %scan3A_27  : i32 {
        %mul3A_30 = arith.constant 16 : i32
        %mul3A_31 = arith.muli %scan3A_29, %mul3A_30 : i32
        %add3A = arith.addi %arg1, %mul3A_31 : i32
        %lt3A = arith.constant 2500 : i32
        %lt3A_32 = arith.cmpi slt, %add3A, %lt3A : i32
        %convert_element_type3A_33 = arith.extui %lt3A_32 : i1 to i32
        %cond3A_34 = arith.constant 0 : i32
        %cond3A_35 = arith.cmpi ne, %convert_element_type3A_33, %cond3A_34 : i32
        scf.if %cond3A_35 {
          %mul3A_36 = arith.constant 128 : i32
          %mul3A_37 = arith.muli %add3A, %mul3A_36 : i32
          "tpu.region"() ({
            %run_scoped3A = tpu.sem_alloc : memref<!tpu.dma_semaphore, #tpu.memory_space<semaphore_mem>>
            %dma_start3A = tpu.memref_slice %arg4[%mul3A_37] : memref<320000xi32, #tpu.memory_space<hbm>> -> memref<128xi32, #tpu.memory_space<hbm>>
            %dma_start3A_38 = tpu.memref_slice %arg4[%mul3A_37] : memref<320000xi32, #tpu.memory_space<hbm>> -> memref<128xi32, #tpu.memory_space<hbm>>
            tpu.enqueue_dma source(%dma_start3A_38 : memref<128xi32, #tpu.memory_space<hbm>>) target(%arg8 : memref<128xi32, #tpu.memory_space<vmem>>) target_semaphore(%run_scoped3A : memref<!tpu.dma_semaphore, #tpu.memory_space<semaphore_mem>>)
            %dma_wait3A = tpu.memref_slice %arg4[%mul3A_37] : memref<320000xi32, #tpu.memory_space<hbm>> -> memref<128xi32, #tpu.memory_space<hbm>>
            %dma_wait3A_39 = tpu.memref_slice %arg4[%mul3A_37] : memref<320000xi32, #tpu.memory_space<hbm>> -> memref<128xi32, #tpu.memory_space<hbm>>
            tpu.wait_dma2 semaphore(%run_scoped3A : memref<!tpu.dma_semaphore, #tpu.memory_space<semaphore_mem>>) src(%dma_wait3A_39 : memref<128xi32, #tpu.memory_space<hbm>>) dst(%arg8 : memref<128xi32, #tpu.memory_space<vmem>>)
            tpu.yield
          }) : () -> ()
          "tpu.region"() ({
            %run_scoped3A = tpu.sem_alloc : memref<!tpu.dma_semaphore, #tpu.memory_space<semaphore_mem>>
            %dma_start3A = arith.constant 0 : i32
            %dma_start3A_38 = tpu.memref_slice %arg2[%mul3A_37, %dma_start3A] : memref<320000x128xf32, #tpu.memory_space<hbm>> -> memref<128x128xf32, #tpu.memory_space<hbm>>
            %dma_start3A_39 = arith.constant 0 : i32
            %dma_start3A_40 = tpu.memref_slice %arg2[%mul3A_37, %dma_start3A_39] : memref<320000x128xf32, #tpu.memory_space<hbm>> -> memref<128x128xf32, #tpu.memory_space<hbm>>
            tpu.enqueue_dma source(%dma_start3A_40 : memref<128x128xf32, #tpu.memory_space<hbm>>) target(%arg9 : memref<128x128xf32, #tpu.memory_space<vmem>>) target_semaphore(%run_scoped3A : memref<!tpu.dma_semaphore, #tpu.memory_space<semaphore_mem>>)
            %dma_wait3A = arith.constant 0 : i32
            %dma_wait3A_41 = tpu.memref_slice %arg2[%mul3A_37, %dma_wait3A] : memref<320000x128xf32, #tpu.memory_space<hbm>> -> memref<128x128xf32, #tpu.memory_space<hbm>>
            %dma_wait3A_42 = arith.constant 0 : i32
            %dma_wait3A_43 = tpu.memref_slice %arg2[%mul3A_37, %dma_wait3A_42] : memref<320000x128xf32, #tpu.memory_space<hbm>> -> memref<128x128xf32, #tpu.memory_space<hbm>>
            tpu.wait_dma2 semaphore(%run_scoped3A : memref<!tpu.dma_semaphore, #tpu.memory_space<semaphore_mem>>) src(%dma_wait3A_43 : memref<128x128xf32, #tpu.memory_space<hbm>>) dst(%arg9 : memref<128x128xf32, #tpu.memory_space<vmem>>)
            tpu.yield
          }) : () -> ()
          "tpu.region"() ({
            %run_scoped3A = tpu.sem_alloc : memref<!tpu.dma_semaphore, #tpu.memory_space<semaphore_mem>>
            %dma_start3A = arith.constant 0 : i32
            %dma_start3A_38 = arith.constant 0 : i32
            %dma_start3A_39 = tpu.memref_slice %arg10[%dma_start3A, %dma_start3A_38] : memref<10000x128xf32, #tpu.memory_space<vmem_shared>> -> memref<10000x128xf32, #tpu.memory_space<vmem_shared>>
            tpu.enqueue_indirect_dma source(%arg9 : memref<128x128xf32, #tpu.memory_space<vmem>>) target(%dma_start3A_39 : memref<10000x128xf32, #tpu.memory_space<vmem_shared>>) offsets(%arg8 : memref<128xi32, #tpu.memory_space<vmem>>) semaphore(%run_scoped3A : memref<!tpu.dma_semaphore, #tpu.memory_space<semaphore_mem>>) {add = true}
            %dma_wait3A = arith.constant 0 : i32
            %dma_wait3A_40 = arith.constant 0 : i32
            %dma_wait3A_41 = tpu.memref_slice %arg10[%dma_wait3A, %dma_wait3A_40] : memref<10000x128xf32, #tpu.memory_space<vmem_shared>> -> memref<10000x128xf32, #tpu.memory_space<vmem_shared>>
            tpu.wait_indirect_dma semaphore(%run_scoped3A : memref<!tpu.dma_semaphore, #tpu.memory_space<semaphore_mem>>) src(%arg9 : memref<128x128xf32, #tpu.memory_space<vmem>>) dst(%dma_wait3A_41 : memref<10000x128xf32, #tpu.memory_space<vmem_shared>>)
            tpu.yield
          }) : () -> ()
        } else {
        }
      }
      %scan3A_28 = arith.constant 157 : i32
    } else {
    }
    %barrier3A_13 = arith.constant 0 : index
    tpu.barrier barrier_id(%barrier3A_13)
    %eq3A_14 = arith.constant 0 : i32
    %eq3A_15 = arith.cmpi eq, %arg0, %eq3A_14 : i32
    %convert_element_type3A_16 = arith.extui %eq3A_15 : i1 to i32
    %cond3A_17 = arith.constant 0 : i32
    %cond3A_18 = arith.cmpi ne, %convert_element_type3A_16, %cond3A_17 : i32
    scf.if %cond3A_18 {
      "tpu.region"() ({
        %run_scoped3A = tpu.sem_alloc : memref<!tpu.dma_semaphore, #tpu.memory_space<semaphore_mem>>
        %dma_start3A = arith.constant 0 : i32
        %dma_start3A_29 = tpu.memref_slice %arg6[%mul3A_0, %dma_start3A] : memref<10000x128xf32, #tpu.memory_space<hbm>> -> memref<624x128xf32, #tpu.memory_space<hbm>>
        %dma_start3A_30 = arith.constant 0 : i32
        %dma_start3A_31 = tpu.memref_slice %arg10[%mul3A_0, %dma_start3A_30] : memref<10000x128xf32, #tpu.memory_space<vmem_shared>> -> memref<624x128xf32, #tpu.memory_space<vmem_shared>>
        tpu.enqueue_dma source(%dma_start3A_31 : memref<624x128xf32, #tpu.memory_space<vmem_shared>>) target(%dma_start3A_29 : memref<624x128xf32, #tpu.memory_space<hbm>>) target_semaphore(%run_scoped3A : memref<!tpu.dma_semaphore, #tpu.memory_space<semaphore_mem>>)
        %dma_wait3A = arith.constant 0 : i32
        %dma_wait3A_32 = tpu.memref_slice %arg6[%mul3A_0, %dma_wait3A] : memref<10000x128xf32, #tpu.memory_space<hbm>> -> memref<624x128xf32, #tpu.memory_space<hbm>>
        %dma_wait3A_33 = arith.constant 0 : i32
        %dma_wait3A_34 = tpu.memref_slice %arg10[%mul3A_0, %dma_wait3A_33] : memref<10000x128xf32, #tpu.memory_space<vmem_shared>> -> memref<624x128xf32, #tpu.memory_space<vmem_shared>>
        tpu.wait_dma2 semaphore(%run_scoped3A : memref<!tpu.dma_semaphore, #tpu.memory_space<semaphore_mem>>) src(%dma_wait3A_34 : memref<624x128xf32, #tpu.memory_space<vmem_shared>>) dst(%dma_wait3A_32 : memref<624x128xf32, #tpu.memory_space<hbm>>)
        tpu.yield
      }) : () -> ()
      %eq3A_24 = arith.constant 0 : i32
      %eq3A_25 = arith.cmpi eq, %arg1, %eq3A_24 : i32
      %convert_element_type3A_26 = arith.extui %eq3A_25 : i1 to i32
      %cond3A_27 = arith.constant 0 : i32
      %cond3A_28 = arith.cmpi ne, %convert_element_type3A_26, %cond3A_27 : i32
      scf.if %cond3A_28 {
        "tpu.region"() ({
          %run_scoped3A = tpu.sem_alloc : memref<!tpu.dma_semaphore, #tpu.memory_space<semaphore_mem>>
          %dma_start3A = arith.constant 9984 : i32
          %dma_start3A_29 = arith.constant 0 : i32
          %dma_start3A_30 = tpu.memref_slice %arg6[%dma_start3A, %dma_start3A_29] : memref<10000x128xf32, #tpu.memory_space<hbm>> -> memref<16x128xf32, #tpu.memory_space<hbm>>
          %dma_start3A_31 = arith.constant 9984 : i32
          %dma_start3A_32 = arith.constant 0 : i32
          %dma_start3A_33 = tpu.memref_slice %arg10[%dma_start3A_31, %dma_start3A_32] : memref<10000x128xf32, #tpu.memory_space<vmem_shared>> -> memref<16x128xf32, #tpu.memory_space<vmem_shared>>
          tpu.enqueue_dma source(%dma_start3A_33 : memref<16x128xf32, #tpu.memory_space<vmem_shared>>) target(%dma_start3A_30 : memref<16x128xf32, #tpu.memory_space<hbm>>) target_semaphore(%run_scoped3A : memref<!tpu.dma_semaphore, #tpu.memory_space<semaphore_mem>>)
          %dma_wait3A = arith.constant 9984 : i32
          %dma_wait3A_34 = arith.constant 0 : i32
          %dma_wait3A_35 = tpu.memref_slice %arg6[%dma_wait3A, %dma_wait3A_34] : memref<10000x128xf32, #tpu.memory_space<hbm>> -> memref<16x128xf32, #tpu.memory_space<hbm>>
          %dma_wait3A_36 = arith.constant 9984 : i32
          %dma_wait3A_37 = arith.constant 0 : i32
          %dma_wait3A_38 = tpu.memref_slice %arg10[%dma_wait3A_36, %dma_wait3A_37] : memref<10000x128xf32, #tpu.memory_space<vmem_shared>> -> memref<16x128xf32, #tpu.memory_space<vmem_shared>>
          tpu.wait_dma2 semaphore(%run_scoped3A : memref<!tpu.dma_semaphore, #tpu.memory_space<semaphore_mem>>) src(%dma_wait3A_38 : memref<16x128xf32, #tpu.memory_space<vmem_shared>>) dst(%dma_wait3A_35 : memref<16x128xf32, #tpu.memory_space<hbm>>)
          tpu.yield
        }) : () -> ()
      } else {
      }
    } else {
    }
    %eq3A_19 = arith.constant 1 : i32
    %eq3A_20 = arith.cmpi eq, %arg0, %eq3A_19 : i32
    %convert_element_type3A_21 = arith.extui %eq3A_20 : i1 to i32
    %cond3A_22 = arith.constant 0 : i32
    %cond3A_23 = arith.cmpi ne, %convert_element_type3A_21, %cond3A_22 : i32
    scf.if %cond3A_23 {
      "tpu.region"() ({
        %run_scoped3A = tpu.sem_alloc : memref<!tpu.dma_semaphore, #tpu.memory_space<semaphore_mem>>
        %dma_start3A = arith.constant 0 : i32
        %dma_start3A_29 = tpu.memref_slice %arg7[%mul3A_0, %dma_start3A] : memref<10000x128xf32, #tpu.memory_space<hbm>> -> memref<624x128xf32, #tpu.memory_space<hbm>>
        %dma_start3A_30 = arith.constant 0 : i32
        %dma_start3A_31 = tpu.memref_slice %arg10[%mul3A_0, %dma_start3A_30] : memref<10000x128xf32, #tpu.memory_space<vmem_shared>> -> memref<624x128xf32, #tpu.memory_space<vmem_shared>>
        tpu.enqueue_dma source(%dma_start3A_31 : memref<624x128xf32, #tpu.memory_space<vmem_shared>>) target(%dma_start3A_29 : memref<624x128xf32, #tpu.memory_space<hbm>>) target_semaphore(%run_scoped3A : memref<!tpu.dma_semaphore, #tpu.memory_space<semaphore_mem>>)
        %dma_wait3A = arith.constant 0 : i32
        %dma_wait3A_32 = tpu.memref_slice %arg7[%mul3A_0, %dma_wait3A] : memref<10000x128xf32, #tpu.memory_space<hbm>> -> memref<624x128xf32, #tpu.memory_space<hbm>>
        %dma_wait3A_33 = arith.constant 0 : i32
        %dma_wait3A_34 = tpu.memref_slice %arg10[%mul3A_0, %dma_wait3A_33] : memref<10000x128xf32, #tpu.memory_space<vmem_shared>> -> memref<624x128xf32, #tpu.memory_space<vmem_shared>>
        tpu.wait_dma2 semaphore(%run_scoped3A : memref<!tpu.dma_semaphore, #tpu.memory_space<semaphore_mem>>) src(%dma_wait3A_34 : memref<624x128xf32, #tpu.memory_space<vmem_shared>>) dst(%dma_wait3A_32 : memref<624x128xf32, #tpu.memory_space<hbm>>)
        tpu.yield
      }) : () -> ()
      %eq3A_24 = arith.constant 0 : i32
      %eq3A_25 = arith.cmpi eq, %arg1, %eq3A_24 : i32
      %convert_element_type3A_26 = arith.extui %eq3A_25 : i1 to i32
      %cond3A_27 = arith.constant 0 : i32
      %cond3A_28 = arith.cmpi ne, %convert_element_type3A_26, %cond3A_27 : i32
      scf.if %cond3A_28 {
        "tpu.region"() ({
          %run_scoped3A = tpu.sem_alloc : memref<!tpu.dma_semaphore, #tpu.memory_space<semaphore_mem>>
          %dma_start3A = arith.constant 9984 : i32
          %dma_start3A_29 = arith.constant 0 : i32
          %dma_start3A_30 = tpu.memref_slice %arg7[%dma_start3A, %dma_start3A_29] : memref<10000x128xf32, #tpu.memory_space<hbm>> -> memref<16x128xf32, #tpu.memory_space<hbm>>
          %dma_start3A_31 = arith.constant 9984 : i32
          %dma_start3A_32 = arith.constant 0 : i32
          %dma_start3A_33 = tpu.memref_slice %arg10[%dma_start3A_31, %dma_start3A_32] : memref<10000x128xf32, #tpu.memory_space<vmem_shared>> -> memref<16x128xf32, #tpu.memory_space<vmem_shared>>
          tpu.enqueue_dma source(%dma_start3A_33 : memref<16x128xf32, #tpu.memory_space<vmem_shared>>) target(%dma_start3A_30 : memref<16x128xf32, #tpu.memory_space<hbm>>) target_semaphore(%run_scoped3A : memref<!tpu.dma_semaphore, #tpu.memory_space<semaphore_mem>>)
          %dma_wait3A = arith.constant 9984 : i32
          %dma_wait3A_34 = arith.constant 0 : i32
          %dma_wait3A_35 = tpu.memref_slice %arg7[%dma_wait3A, %dma_wait3A_34] : memref<10000x128xf32, #tpu.memory_space<hbm>> -> memref<16x128xf32, #tpu.memory_space<hbm>>
          %dma_wait3A_36 = arith.constant 9984 : i32
          %dma_wait3A_37 = arith.constant 0 : i32
          %dma_wait3A_38 = tpu.memref_slice %arg10[%dma_wait3A_36, %dma_wait3A_37] : memref<10000x128xf32, #tpu.memory_space<vmem_shared>> -> memref<16x128xf32, #tpu.memory_space<vmem_shared>>
          tpu.wait_dma2 semaphore(%run_scoped3A : memref<!tpu.dma_semaphore, #tpu.memory_space<semaphore_mem>>) src(%dma_wait3A_38 : memref<16x128xf32, #tpu.memory_space<vmem_shared>>) dst(%dma_wait3A_35 : memref<16x128xf32, #tpu.memory_space<hbm>>)
          tpu.yield
        }) : () -> ()
      } else {
      }
    } else {
    }
    return
  }
}

module attributes {stable_mosaic.version = 14 : i64} {
  func.func @_node_prep_body(%arg0: memref<10000x128xf32, #tpu.memory_space<vmem>>, %arg1: memref<128x128xf32, #tpu.memory_space<vmem>>, %arg2: memref<128x128xf32, #tpu.memory_space<vmem>>, %arg3: memref<128x128xf32, #tpu.memory_space<vmem>>, %arg4: memref<10000x128xf32, #tpu.memory_space<vmem>>, %arg5: memref<10000x128xf32, #tpu.memory_space<vmem>>, %arg6: memref<10000x128xf32, #tpu.memory_space<vmem>>) attributes {dimension_semantics = [], scalar_prefetch = 0 : i64, scratch_operands = 0 : i64, tpu.core_type = #tpu.core_type<tc>} {
    %get3A = arith.constant 0 : index
    %get3A_0 = arith.constant 0 : index
    %get3A_1 = vector.load %arg0[%get3A, %get3A_0] : memref<10000x128xf32, #tpu.memory_space<vmem>>, vector<10000x128xf32>
    %get3A_2 = arith.constant 0 : index
    %get3A_3 = arith.constant 0 : index
    %get3A_4 = vector.load %arg1[%get3A_2, %get3A_3] : memref<128x128xf32, #tpu.memory_space<vmem>>, vector<128x128xf32>
    %dot_general3A = arith.constant dense<0.000000e+00> : vector<10000x128xf32>
    %dot_general3A_5 = tpu.matmul %get3A_1, %get3A_4, %dot_general3A {dimension_numbers = #tpu.dot_dimension_numbers<[1], [0], [0], [1], [0, 0, 1, 1], [], []>, transpose_lhs_hint = false} : vector<10000x128xf32>, vector<128x128xf32>, vector<10000x128xf32> -> vector<10000x128xf32>
    %swap3A = arith.constant 0 : index
    %swap3A_6 = arith.constant 0 : index
    %swap3A_7 = vector.load %arg4[%swap3A, %swap3A_6] : memref<10000x128xf32, #tpu.memory_space<vmem>>, vector<10000x128xf32>
    tpu.vector_store %arg4[%swap3A, %swap3A_6], %dot_general3A_5 {strides = array<i32>} : memref<10000x128xf32, #tpu.memory_space<vmem>>, vector<10000x128xf32>,
    %get3A_8 = arith.constant 0 : index
    %get3A_9 = arith.constant 0 : index
    %get3A_10 = vector.load %arg2[%get3A_8, %get3A_9] : memref<128x128xf32, #tpu.memory_space<vmem>>, vector<128x128xf32>
    %dot_general3A_11 = arith.constant dense<0.000000e+00> : vector<10000x128xf32>
    %dot_general3A_12 = tpu.matmul %dot_general3A_5, %get3A_10, %dot_general3A_11 {dimension_numbers = #tpu.dot_dimension_numbers<[1], [0], [0], [1], [0, 0, 1, 1], [], []>, transpose_lhs_hint = false} : vector<10000x128xf32>, vector<128x128xf32>, vector<10000x128xf32> -> vector<10000x128xf32>
    %swap3A_13 = arith.constant 0 : index
    %swap3A_14 = arith.constant 0 : index
    %swap3A_15 = vector.load %arg5[%swap3A_13, %swap3A_14] : memref<10000x128xf32, #tpu.memory_space<vmem>>, vector<10000x128xf32>
    tpu.vector_store %arg5[%swap3A_13, %swap3A_14], %dot_general3A_12 {strides = array<i32>} : memref<10000x128xf32, #tpu.memory_space<vmem>>, vector<10000x128xf32>,
    %get3A_16 = arith.constant 0 : index
    %get3A_17 = arith.constant 0 : index
    %get3A_18 = vector.load %arg3[%get3A_16, %get3A_17] : memref<128x128xf32, #tpu.memory_space<vmem>>, vector<128x128xf32>
    %dot_general3A_19 = arith.constant dense<0.000000e+00> : vector<10000x128xf32>
    %dot_general3A_20 = tpu.matmul %dot_general3A_5, %get3A_18, %dot_general3A_19 {dimension_numbers = #tpu.dot_dimension_numbers<[1], [0], [0], [1], [0, 0, 1, 1], [], []>, transpose_lhs_hint = false} : vector<10000x128xf32>, vector<128x128xf32>, vector<10000x128xf32> -> vector<10000x128xf32>
    %swap3A_21 = arith.constant 0 : index
    %swap3A_22 = arith.constant 0 : index
    %swap3A_23 = vector.load %arg6[%swap3A_21, %swap3A_22] : memref<10000x128xf32, #tpu.memory_space<vmem>>, vector<10000x128xf32>
    tpu.vector_store %arg6[%swap3A_21, %swap3A_22], %dot_general3A_20 {strides = array<i32>} : memref<10000x128xf32, #tpu.memory_space<vmem>>, vector<10000x128xf32>,
    return
  }
}

module attributes {stable_mosaic.version = 14 : i64} {
  func.func @_edge1_body(%arg0: i32, %arg1: memref<2000x128xf32, #tpu.memory_space<vmem>>, %arg2: memref<2000x128xf32, #tpu.memory_space<vmem>>, %arg3: memref<2000x16xf32, #tpu.memory_space<vmem>>, %arg4: memref<16x128xf32, #tpu.memory_space<vmem>>, %arg5: memref<128x128xf32, #tpu.memory_space<vmem>>, %arg6: memref<128x128xf32, #tpu.memory_space<vmem>>, %arg7: memref<2000x128xf32, #tpu.memory_space<vmem>>, %arg8: memref<2000x128xf32, #tpu.memory_space<vmem>>) attributes {dimension_semantics = [#tpu.dimension_semantics<arbitrary>], iteration_bounds = array<i64: 160>, scalar_prefetch = 0 : i64, scratch_operands = 0 : i64, tpu.core_type = #tpu.core_type<tc>, window_params = [{transform_indices = @transform_0, window_bounds = array<i64: 2000, 128>}, {transform_indices = @transform_1, window_bounds = array<i64: 2000, 128>}, {transform_indices = @transform_2, window_bounds = array<i64: 2000, 16>}, {pipeline_mode = #tpu.pipeline_mode<synchronous>, transform_indices = @transform_3, window_bounds = array<i64: 16, 128>}, {pipeline_mode = #tpu.pipeline_mode<synchronous>, transform_indices = @transform_4, window_bounds = array<i64: 128, 128>}, {pipeline_mode = #tpu.pipeline_mode<synchronous>, transform_indices = @transform_5, window_bounds = array<i64: 128, 128>}, {transform_indices = @transform_6, window_bounds = array<i64: 2000, 128>}, {transform_indices = @transform_7, window_bounds = array<i64: 2000, 128>}]} {
    %get3A = arith.constant 0 : index
    %get3A_0 = arith.constant 0 : index
    %get3A_1 = vector.load %arg3[%get3A, %get3A_0] : memref<2000x16xf32, #tpu.memory_space<vmem>>, vector<2000x16xf32>
    %get3A_2 = arith.constant 0 : index
    %get3A_3 = arith.constant 0 : index
    %get3A_4 = vector.load %arg4[%get3A_2, %get3A_3] : memref<16x128xf32, #tpu.memory_space<vmem>>, vector<16x128xf32>
    %dot_general3A = arith.constant dense<0.000000e+00> : vector<2000x128xf32>
    %dot_general3A_5 = tpu.matmul %get3A_1, %get3A_4, %dot_general3A {dimension_numbers = #tpu.dot_dimension_numbers<[1], [0], [0], [1], [0, 0, 1, 1], [], []>, transpose_lhs_hint = false} : vector<2000x16xf32>, vector<16x128xf32>, vector<2000x128xf32> -> vector<2000x128xf32>
    %get3A_6 = arith.constant 0 : index
    %get3A_7 = arith.constant 0 : index
    %get3A_8 = vector.load %arg1[%get3A_6, %get3A_7] : memref<2000x128xf32, #tpu.memory_space<vmem>>, vector<2000x128xf32>
    %get3A_9 = arith.constant 0 : index
    %get3A_10 = arith.constant 0 : index
    %get3A_11 = vector.load %arg2[%get3A_9, %get3A_10] : memref<2000x128xf32, #tpu.memory_space<vmem>>, vector<2000x128xf32>
    %add3A = arith.addf %get3A_8, %get3A_11 : vector<2000x128xf32>
    %get3A_12 = arith.constant 0 : index
    %get3A_13 = arith.constant 0 : index
    %get3A_14 = vector.load %arg5[%get3A_12, %get3A_13] : memref<128x128xf32, #tpu.memory_space<vmem>>, vector<128x128xf32>
    %dot_general3A_15 = arith.constant dense<0.000000e+00> : vector<2000x128xf32>
    %dot_general3A_16 = tpu.matmul %dot_general3A_5, %get3A_14, %dot_general3A_15 {dimension_numbers = #tpu.dot_dimension_numbers<[1], [0], [0], [1], [0, 0, 1, 1], [], []>, transpose_lhs_hint = false} : vector<2000x128xf32>, vector<128x128xf32>, vector<2000x128xf32> -> vector<2000x128xf32>
    %add3A_17 = arith.addf %add3A, %dot_general3A_16 : vector<2000x128xf32>
    %reduce_sum3A = arith.constant dense<0.000000e+00> : vector<2000xf32>
    %reduce_sum3A_18 = vector.multi_reduction <add>, %add3A_17, %reduce_sum3A [1] : vector<2000x128xf32> to vector<2000xf32>
    %broadcast_in_dim3A = vector.shape_cast %reduce_sum3A_18 : vector<2000xf32> to vector<2000x1xf32>
    %div3A = arith.constant 1.280000e+02 : f32
    %div3A_19 = vector.broadcast %div3A : f32 to vector<2000x1xf32>
    %div3A_20 = arith.divf %broadcast_in_dim3A, %div3A_19 : vector<2000x1xf32>
    %sub3A = vector.broadcast %div3A_20 : vector<2000x1xf32> to vector<2000x128xf32>
    %sub3A_21 = arith.subf %add3A_17, %sub3A : vector<2000x128xf32>
    %mul3A = arith.mulf %sub3A_21, %sub3A_21 : vector<2000x128xf32>
    %reduce_sum3A_22 = arith.constant dense<0.000000e+00> : vector<2000xf32>
    %reduce_sum3A_23 = vector.multi_reduction <add>, %mul3A, %reduce_sum3A_22 [1] : vector<2000x128xf32> to vector<2000xf32>
    %broadcast_in_dim3A_24 = vector.shape_cast %reduce_sum3A_23 : vector<2000xf32> to vector<2000x1xf32>
    %add3A_25 = arith.constant 1.000000e-03 : f32
    %add3A_26 = vector.broadcast %add3A_25 : f32 to vector<2000x1xf32>
    %add3A_27 = arith.addf %broadcast_in_dim3A_24, %add3A_26 : vector<2000x1xf32>
    %sqrt3A = math.sqrt %add3A_27 : vector<2000x1xf32>
    %div3A_28 = vector.broadcast %sqrt3A : vector<2000x1xf32> to vector<2000x128xf32>
    %div3A_29 = arith.divf %sub3A_21, %div3A_28 : vector<2000x128xf32>
    %max3A = arith.constant 0.000000e+00 : f32
    %max3A_30 = vector.broadcast %max3A : f32 to vector<2000x128xf32>
    %max3A_31 = arith.maximumf %div3A_29, %max3A_30 : vector<2000x128xf32>
    %swap3A = arith.constant 0 : index
    %swap3A_32 = arith.constant 0 : index
    %swap3A_33 = vector.load %arg7[%swap3A, %swap3A_32] : memref<2000x128xf32, #tpu.memory_space<vmem>>, vector<2000x128xf32>
    tpu.vector_store %arg7[%swap3A, %swap3A_32], %max3A_31 {strides = array<i32>} : memref<2000x128xf32, #tpu.memory_space<vmem>>, vector<2000x128xf32>,
    %get3A_34 = arith.constant 0 : index
    %get3A_35 = arith.constant 0 : index
    %get3A_36 = vector.load %arg6[%get3A_34, %get3A_35] : memref<128x128xf32, #tpu.memory_space<vmem>>, vector<128x128xf32>
    %dot_general3A_37 = arith.constant dense<0.000000e+00> : vector<2000x128xf32>
    %dot_general3A_38 = tpu.matmul %max3A_31, %get3A_36, %dot_general3A_37 {dimension_numbers = #tpu.dot_dimension_numbers<[1], [0], [0], [1], [0, 0, 1, 1], [], []>, transpose_lhs_hint = false} : vector<2000x128xf32>, vector<128x128xf32>, vector<2000x128xf32> -> vector<2000x128xf32>
    %add3A_39 = arith.addf %dot_general3A_5, %dot_general3A_38 : vector<2000x128xf32>
    %swap3A_40 = arith.constant 0 : index
    %swap3A_41 = arith.constant 0 : index
    %swap3A_42 = vector.load %arg8[%swap3A_40, %swap3A_41] : memref<2000x128xf32, #tpu.memory_space<vmem>>, vector<2000x128xf32>
    tpu.vector_store %arg8[%swap3A_40, %swap3A_41], %add3A_39 {strides = array<i32>} : memref<2000x128xf32, #tpu.memory_space<vmem>>, vector<2000x128xf32>,
    return
  }
  func.func @transform_0(%arg0: i32) -> (i32, i32) {
    %c0_i32 = arith.constant 0 : i32
    %c0_i32_0 = arith.constant 0 : i32
    return %arg0, %c0_i32 : i32, i32
  }
  func.func @transform_1(%arg0: i32) -> (i32, i32) {
    %c0_i32 = arith.constant 0 : i32
    %c0_i32_0 = arith.constant 0 : i32
    return %arg0, %c0_i32 : i32, i32
  }
  func.func @transform_2(%arg0: i32) -> (i32, i32) {
    %c0_i32 = arith.constant 0 : i32
    %c0_i32_0 = arith.constant 0 : i32
    return %arg0, %c0_i32 : i32, i32
  }
  func.func @transform_3(%arg0: i32) -> (i32, i32) {
    %c0_i32 = arith.constant 0 : i32
    %c0_i32_0 = arith.constant 0 : i32
    %c0_i32_1 = arith.constant 0 : i32
    return %c0_i32, %c0_i32_0 : i32, i32
  }
  func.func @transform_4(%arg0: i32) -> (i32, i32) {
    %c0_i32 = arith.constant 0 : i32
    %c0_i32_0 = arith.constant 0 : i32
    %c0_i32_1 = arith.constant 0 : i32
    return %c0_i32, %c0_i32_0 : i32, i32
  }
  func.func @transform_5(%arg0: i32) -> (i32, i32) {
    %c0_i32 = arith.constant 0 : i32
    %c0_i32_0 = arith.constant 0 : i32
    %c0_i32_1 = arith.constant 0 : i32
    return %c0_i32, %c0_i32_0 : i32, i32
  }
  func.func @transform_6(%arg0: i32) -> (i32, i32) {
    %c0_i32 = arith.constant 0 : i32
    %c0_i32_0 = arith.constant 0 : i32
    return %arg0, %c0_i32 : i32, i32
  }
  func.func @transform_7(%arg0: i32) -> (i32, i32) {
    %c0_i32 = arith.constant 0 : i32
    %c0_i32_0 = arith.constant 0 : i32
    return %arg0, %c0_i32 : i32, i32
  }
}

module attributes {stable_mosaic.version = 14 : i64} {
  func.func @_node_upd1_body(%arg0: memref<10000x128xf32, #tpu.memory_space<vmem>>, %arg1: memref<10000x128xf32, #tpu.memory_space<vmem>>, %arg2: memref<10000x128xf32, #tpu.memory_space<vmem>>, %arg3: memref<128x128xf32, #tpu.memory_space<vmem>>, %arg4: memref<128x128xf32, #tpu.memory_space<vmem>>, %arg5: memref<128x128xf32, #tpu.memory_space<vmem>>, %arg6: memref<128x128xf32, #tpu.memory_space<vmem>>, %arg7: memref<128x128xf32, #tpu.memory_space<vmem>>, %arg8: memref<10000x128xf32, #tpu.memory_space<vmem>>, %arg9: memref<10000x128xf32, #tpu.memory_space<vmem>>, %arg10: memref<10000x128xf32, #tpu.memory_space<vmem>>) attributes {dimension_semantics = [], scalar_prefetch = 0 : i64, scratch_operands = 0 : i64, tpu.core_type = #tpu.core_type<tc>} {
    %get3A = arith.constant 0 : index
    %get3A_0 = arith.constant 0 : index
    %get3A_1 = vector.load %arg0[%get3A, %get3A_0] : memref<10000x128xf32, #tpu.memory_space<vmem>>, vector<10000x128xf32>
    %get3A_2 = arith.constant 0 : index
    %get3A_3 = arith.constant 0 : index
    %get3A_4 = vector.load %arg3[%get3A_2, %get3A_3] : memref<128x128xf32, #tpu.memory_space<vmem>>, vector<128x128xf32>
    %dot_general3A = arith.constant dense<0.000000e+00> : vector<10000x128xf32>
    %dot_general3A_5 = tpu.matmul %get3A_1, %get3A_4, %dot_general3A {dimension_numbers = #tpu.dot_dimension_numbers<[1], [0], [0], [1], [0, 0, 1, 1], [], []>, transpose_lhs_hint = false} : vector<10000x128xf32>, vector<128x128xf32>, vector<10000x128xf32> -> vector<10000x128xf32>
    %add3A = arith.addf %get3A_1, %dot_general3A_5 : vector<10000x128xf32>
    %get3A_6 = arith.constant 0 : index
    %get3A_7 = arith.constant 0 : index
    %get3A_8 = vector.load %arg1[%get3A_6, %get3A_7] : memref<10000x128xf32, #tpu.memory_space<vmem>>, vector<10000x128xf32>
    %get3A_9 = arith.constant 0 : index
    %get3A_10 = arith.constant 0 : index
    %get3A_11 = vector.load %arg4[%get3A_9, %get3A_10] : memref<128x128xf32, #tpu.memory_space<vmem>>, vector<128x128xf32>
    %dot_general3A_12 = arith.constant dense<0.000000e+00> : vector<10000x128xf32>
    %dot_general3A_13 = tpu.matmul %get3A_8, %get3A_11, %dot_general3A_12 {dimension_numbers = #tpu.dot_dimension_numbers<[1], [0], [0], [1], [0, 0, 1, 1], [], []>, transpose_lhs_hint = false} : vector<10000x128xf32>, vector<128x128xf32>, vector<10000x128xf32> -> vector<10000x128xf32>
    %add3A_14 = arith.addf %add3A, %dot_general3A_13 : vector<10000x128xf32>
    %get3A_15 = arith.constant 0 : index
    %get3A_16 = arith.constant 0 : index
    %get3A_17 = vector.load %arg2[%get3A_15, %get3A_16] : memref<10000x128xf32, #tpu.memory_space<vmem>>, vector<10000x128xf32>
    %get3A_18 = arith.constant 0 : index
    %get3A_19 = arith.constant 0 : index
    %get3A_20 = vector.load %arg5[%get3A_18, %get3A_19] : memref<128x128xf32, #tpu.memory_space<vmem>>, vector<128x128xf32>
    %dot_general3A_21 = arith.constant dense<0.000000e+00> : vector<10000x128xf32>
    %dot_general3A_22 = tpu.matmul %get3A_17, %get3A_20, %dot_general3A_21 {dimension_numbers = #tpu.dot_dimension_numbers<[1], [0], [0], [1], [0, 0, 1, 1], [], []>, transpose_lhs_hint = false} : vector<10000x128xf32>, vector<128x128xf32>, vector<10000x128xf32> -> vector<10000x128xf32>
    %add3A_23 = arith.addf %add3A_14, %dot_general3A_22 : vector<10000x128xf32>
    %swap3A = arith.constant 0 : index
    %swap3A_24 = arith.constant 0 : index
    %swap3A_25 = vector.load %arg8[%swap3A, %swap3A_24] : memref<10000x128xf32, #tpu.memory_space<vmem>>, vector<10000x128xf32>
    tpu.vector_store %arg8[%swap3A, %swap3A_24], %add3A_23 {strides = array<i32>} : memref<10000x128xf32, #tpu.memory_space<vmem>>, vector<10000x128xf32>,
    %get3A_26 = arith.constant 0 : index
    %get3A_27 = arith.constant 0 : index
    %get3A_28 = vector.load %arg6[%get3A_26, %get3A_27] : memref<128x128xf32, #tpu.memory_space<vmem>>, vector<128x128xf32>
    %dot_general3A_29 = arith.constant dense<0.000000e+00> : vector<10000x128xf32>
    %dot_general3A_30 = tpu.matmul %add3A_23, %get3A_28, %dot_general3A_29 {dimension_numbers = #tpu.dot_dimension_numbers<[1], [0], [0], [1], [0, 0, 1, 1], [], []>, transpose_lhs_hint = false} : vector<10000x128xf32>, vector<128x128xf32>, vector<10000x128xf32> -> vector<10000x128xf32>
    %swap3A_31 = arith.constant 0 : index
    %swap3A_32 = arith.constant 0 : index
    %swap3A_33 = vector.load %arg9[%swap3A_31, %swap3A_32] : memref<10000x128xf32, #tpu.memory_space<vmem>>, vector<10000x128xf32>
    tpu.vector_store %arg9[%swap3A_31, %swap3A_32], %dot_general3A_30 {strides = array<i32>} : memref<10000x128xf32, #tpu.memory_space<vmem>>, vector<10000x128xf32>,
    %get3A_34 = arith.constant 0 : index
    %get3A_35 = arith.constant 0 : index
    %get3A_36 = vector.load %arg7[%get3A_34, %get3A_35] : memref<128x128xf32, #tpu.memory_space<vmem>>, vector<128x128xf32>
    %dot_general3A_37 = arith.constant dense<0.000000e+00> : vector<10000x128xf32>
    %dot_general3A_38 = tpu.matmul %add3A_23, %get3A_36, %dot_general3A_37 {dimension_numbers = #tpu.dot_dimension_numbers<[1], [0], [0], [1], [0, 0, 1, 1], [], []>, transpose_lhs_hint = false} : vector<10000x128xf32>, vector<128x128xf32>, vector<10000x128xf32> -> vector<10000x128xf32>
    %swap3A_39 = arith.constant 0 : index
    %swap3A_40 = arith.constant 0 : index
    %swap3A_41 = vector.load %arg10[%swap3A_39, %swap3A_40] : memref<10000x128xf32, #tpu.memory_space<vmem>>, vector<10000x128xf32>
    tpu.vector_store %arg10[%swap3A_39, %swap3A_40], %dot_general3A_38 {strides = array<i32>} : memref<10000x128xf32, #tpu.memory_space<vmem>>, vector<10000x128xf32>,
    return
  }
}

module attributes {stable_mosaic.version = 14 : i64} {
  func.func @_edge2_body(%arg0: i32, %arg1: memref<2000x128xf32, #tpu.memory_space<vmem>>, %arg2: memref<2000x128xf32, #tpu.memory_space<vmem>>, %arg3: memref<2000x128xf32, #tpu.memory_space<vmem>>, %arg4: memref<128x128xf32, #tpu.memory_space<vmem>>, %arg5: memref<128x128xf32, #tpu.memory_space<vmem>>, %arg6: memref<128x16xf32, #tpu.memory_space<vmem>>, %arg7: memref<2000x128xf32, #tpu.memory_space<vmem>>, %arg8: memref<2000x16xf32, #tpu.memory_space<vmem>>) attributes {dimension_semantics = [#tpu.dimension_semantics<arbitrary>], iteration_bounds = array<i64: 160>, scalar_prefetch = 0 : i64, scratch_operands = 0 : i64, tpu.core_type = #tpu.core_type<tc>, window_params = [{transform_indices = @transform_0, window_bounds = array<i64: 2000, 128>}, {transform_indices = @transform_1, window_bounds = array<i64: 2000, 128>}, {transform_indices = @transform_2, window_bounds = array<i64: 2000, 128>}, {pipeline_mode = #tpu.pipeline_mode<synchronous>, transform_indices = @transform_3, window_bounds = array<i64: 128, 128>}, {pipeline_mode = #tpu.pipeline_mode<synchronous>, transform_indices = @transform_4, window_bounds = array<i64: 128, 128>}, {pipeline_mode = #tpu.pipeline_mode<synchronous>, transform_indices = @transform_5, window_bounds = array<i64: 128, 16>}, {transform_indices = @transform_6, window_bounds = array<i64: 2000, 128>}, {transform_indices = @transform_7, window_bounds = array<i64: 2000, 16>}]} {
    %get3A = arith.constant 0 : index
    %get3A_0 = arith.constant 0 : index
    %get3A_1 = vector.load %arg3[%get3A, %get3A_0] : memref<2000x128xf32, #tpu.memory_space<vmem>>, vector<2000x128xf32>
    %get3A_2 = arith.constant 0 : index
    %get3A_3 = arith.constant 0 : index
    %get3A_4 = vector.load %arg1[%get3A_2, %get3A_3] : memref<2000x128xf32, #tpu.memory_space<vmem>>, vector<2000x128xf32>
    %get3A_5 = arith.constant 0 : index
    %get3A_6 = arith.constant 0 : index
    %get3A_7 = vector.load %arg2[%get3A_5, %get3A_6] : memref<2000x128xf32, #tpu.memory_space<vmem>>, vector<2000x128xf32>
    %add3A = arith.addf %get3A_4, %get3A_7 : vector<2000x128xf32>
    %get3A_8 = arith.constant 0 : index
    %get3A_9 = arith.constant 0 : index
    %get3A_10 = vector.load %arg4[%get3A_8, %get3A_9] : memref<128x128xf32, #tpu.memory_space<vmem>>, vector<128x128xf32>
    %dot_general3A = arith.constant dense<0.000000e+00> : vector<2000x128xf32>
    %dot_general3A_11 = tpu.matmul %get3A_1, %get3A_10, %dot_general3A {dimension_numbers = #tpu.dot_dimension_numbers<[1], [0], [0], [1], [0, 0, 1, 1], [], []>, transpose_lhs_hint = false} : vector<2000x128xf32>, vector<128x128xf32>, vector<2000x128xf32> -> vector<2000x128xf32>
    %add3A_12 = arith.addf %add3A, %dot_general3A_11 : vector<2000x128xf32>
    %reduce_sum3A = arith.constant dense<0.000000e+00> : vector<2000xf32>
    %reduce_sum3A_13 = vector.multi_reduction <add>, %add3A_12, %reduce_sum3A [1] : vector<2000x128xf32> to vector<2000xf32>
    %broadcast_in_dim3A = vector.shape_cast %reduce_sum3A_13 : vector<2000xf32> to vector<2000x1xf32>
    %div3A = arith.constant 1.280000e+02 : f32
    %div3A_14 = vector.broadcast %div3A : f32 to vector<2000x1xf32>
    %div3A_15 = arith.divf %broadcast_in_dim3A, %div3A_14 : vector<2000x1xf32>
    %sub3A = vector.broadcast %div3A_15 : vector<2000x1xf32> to vector<2000x128xf32>
    %sub3A_16 = arith.subf %add3A_12, %sub3A : vector<2000x128xf32>
    %mul3A = arith.mulf %sub3A_16, %sub3A_16 : vector<2000x128xf32>
    %reduce_sum3A_17 = arith.constant dense<0.000000e+00> : vector<2000xf32>
    %reduce_sum3A_18 = vector.multi_reduction <add>, %mul3A, %reduce_sum3A_17 [1] : vector<2000x128xf32> to vector<2000xf32>
    %broadcast_in_dim3A_19 = vector.shape_cast %reduce_sum3A_18 : vector<2000xf32> to vector<2000x1xf32>
    %add3A_20 = arith.constant 1.000000e-03 : f32
    %add3A_21 = vector.broadcast %add3A_20 : f32 to vector<2000x1xf32>
    %add3A_22 = arith.addf %broadcast_in_dim3A_19, %add3A_21 : vector<2000x1xf32>
    %sqrt3A = math.sqrt %add3A_22 : vector<2000x1xf32>
    %div3A_23 = vector.broadcast %sqrt3A : vector<2000x1xf32> to vector<2000x128xf32>
    %div3A_24 = arith.divf %sub3A_16, %div3A_23 : vector<2000x128xf32>
    %max3A = arith.constant 0.000000e+00 : f32
    %max3A_25 = vector.broadcast %max3A : f32 to vector<2000x128xf32>
    %max3A_26 = arith.maximumf %div3A_24, %max3A_25 : vector<2000x128xf32>
    %swap3A = arith.constant 0 : index
    %swap3A_27 = arith.constant 0 : index
    %swap3A_28 = vector.load %arg7[%swap3A, %swap3A_27] : memref<2000x128xf32, #tpu.memory_space<vmem>>, vector<2000x128xf32>
    tpu.vector_store %arg7[%swap3A, %swap3A_27], %max3A_26 {strides = array<i32>} : memref<2000x128xf32, #tpu.memory_space<vmem>>, vector<2000x128xf32>,
    %get3A_29 = arith.constant 0 : index
    %get3A_30 = arith.constant 0 : index
    %get3A_31 = vector.load %arg5[%get3A_29, %get3A_30] : memref<128x128xf32, #tpu.memory_space<vmem>>, vector<128x128xf32>
    %dot_general3A_32 = arith.constant dense<0.000000e+00> : vector<2000x128xf32>
    %dot_general3A_33 = tpu.matmul %max3A_26, %get3A_31, %dot_general3A_32 {dimension_numbers = #tpu.dot_dimension_numbers<[1], [0], [0], [1], [0, 0, 1, 1], [], []>, transpose_lhs_hint = false} : vector<2000x128xf32>, vector<128x128xf32>, vector<2000x128xf32> -> vector<2000x128xf32>
    %add3A_34 = arith.addf %get3A_1, %dot_general3A_33 : vector<2000x128xf32>
    %get3A_35 = arith.constant 0 : index
    %get3A_36 = arith.constant 0 : index
    %get3A_37 = vector.load %arg6[%get3A_35, %get3A_36] : memref<128x16xf32, #tpu.memory_space<vmem>>, vector<128x16xf32>
    %dot_general3A_38 = arith.constant dense<0.000000e+00> : vector<2000x16xf32>
    %dot_general3A_39 = tpu.matmul %add3A_34, %get3A_37, %dot_general3A_38 {dimension_numbers = #tpu.dot_dimension_numbers<[1], [0], [0], [1], [0, 0, 1, 1], [], []>, transpose_lhs_hint = false} : vector<2000x128xf32>, vector<128x16xf32>, vector<2000x16xf32> -> vector<2000x16xf32>
    %swap3A_40 = arith.constant 0 : index
    %swap3A_41 = arith.constant 0 : index
    %swap3A_42 = vector.load %arg8[%swap3A_40, %swap3A_41] : memref<2000x16xf32, #tpu.memory_space<vmem>>, vector<2000x16xf32>
    tpu.vector_store %arg8[%swap3A_40, %swap3A_41], %dot_general3A_39 {strides = array<i32>} : memref<2000x16xf32, #tpu.memory_space<vmem>>, vector<2000x16xf32>,
    return
  }
  func.func @transform_0(%arg0: i32) -> (i32, i32) {
    %c0_i32 = arith.constant 0 : i32
    %c0_i32_0 = arith.constant 0 : i32
    return %arg0, %c0_i32 : i32, i32
  }
  func.func @transform_1(%arg0: i32) -> (i32, i32) {
    %c0_i32 = arith.constant 0 : i32
    %c0_i32_0 = arith.constant 0 : i32
    return %arg0, %c0_i32 : i32, i32
  }
  func.func @transform_2(%arg0: i32) -> (i32, i32) {
    %c0_i32 = arith.constant 0 : i32
    %c0_i32_0 = arith.constant 0 : i32
    return %arg0, %c0_i32 : i32, i32
  }
  func.func @transform_3(%arg0: i32) -> (i32, i32) {
    %c0_i32 = arith.constant 0 : i32
    %c0_i32_0 = arith.constant 0 : i32
    %c0_i32_1 = arith.constant 0 : i32
    return %c0_i32, %c0_i32_0 : i32, i32
  }
  func.func @transform_4(%arg0: i32) -> (i32, i32) {
    %c0_i32 = arith.constant 0 : i32
    %c0_i32_0 = arith.constant 0 : i32
    %c0_i32_1 = arith.constant 0 : i32
    return %c0_i32, %c0_i32_0 : i32, i32
  }
  func.func @transform_5(%arg0: i32) -> (i32, i32) {
    %c0_i32 = arith.constant 0 : i32
    %c0_i32_0 = arith.constant 0 : i32
    %c0_i32_1 = arith.constant 0 : i32
    return %c0_i32, %c0_i32_0 : i32, i32
  }
  func.func @transform_6(%arg0: i32) -> (i32, i32) {
    %c0_i32 = arith.constant 0 : i32
    %c0_i32_0 = arith.constant 0 : i32
    return %arg0, %c0_i32 : i32, i32
  }
  func.func @transform_7(%arg0: i32) -> (i32, i32) {
    %c0_i32 = arith.constant 0 : i32
    %c0_i32_0 = arith.constant 0 : i32
    return %arg0, %c0_i32 : i32, i32
  }
}

module attributes {stable_mosaic.version = 14 : i64} {
  func.func @_node_upd2_body(%arg0: memref<10000x128xf32, #tpu.memory_space<vmem>>, %arg1: memref<10000x128xf32, #tpu.memory_space<vmem>>, %arg2: memref<10000x128xf32, #tpu.memory_space<vmem>>, %arg3: memref<128x128xf32, #tpu.memory_space<vmem>>, %arg4: memref<128x128xf32, #tpu.memory_space<vmem>>, %arg5: memref<128x128xf32, #tpu.memory_space<vmem>>, %arg6: memref<128x128xf32, #tpu.memory_space<vmem>>, %arg7: memref<10000x128xf32, #tpu.memory_space<vmem>>) attributes {dimension_semantics = [], scalar_prefetch = 0 : i64, scratch_operands = 0 : i64, tpu.core_type = #tpu.core_type<tc>} {
    %get3A = arith.constant 0 : index
    %get3A_0 = arith.constant 0 : index
    %get3A_1 = vector.load %arg0[%get3A, %get3A_0] : memref<10000x128xf32, #tpu.memory_space<vmem>>, vector<10000x128xf32>
    %get3A_2 = arith.constant 0 : index
    %get3A_3 = arith.constant 0 : index
    %get3A_4 = vector.load %arg3[%get3A_2, %get3A_3] : memref<128x128xf32, #tpu.memory_space<vmem>>, vector<128x128xf32>
    %dot_general3A = arith.constant dense<0.000000e+00> : vector<10000x128xf32>
    %dot_general3A_5 = tpu.matmul %get3A_1, %get3A_4, %dot_general3A {dimension_numbers = #tpu.dot_dimension_numbers<[1], [0], [0], [1], [0, 0, 1, 1], [], []>, transpose_lhs_hint = false} : vector<10000x128xf32>, vector<128x128xf32>, vector<10000x128xf32> -> vector<10000x128xf32>
    %add3A = arith.addf %get3A_1, %dot_general3A_5 : vector<10000x128xf32>
    %get3A_6 = arith.constant 0 : index
    %get3A_7 = arith.constant 0 : index
    %get3A_8 = vector.load %arg1[%get3A_6, %get3A_7] : memref<10000x128xf32, #tpu.memory_space<vmem>>, vector<10000x128xf32>
    %get3A_9 = arith.constant 0 : index
    %get3A_10 = arith.constant 0 : index
    %get3A_11 = vector.load %arg4[%get3A_9, %get3A_10] : memref<128x128xf32, #tpu.memory_space<vmem>>, vector<128x128xf32>
    %dot_general3A_12 = arith.constant dense<0.000000e+00> : vector<10000x128xf32>
    %dot_general3A_13 = tpu.matmul %get3A_8, %get3A_11, %dot_general3A_12 {dimension_numbers = #tpu.dot_dimension_numbers<[1], [0], [0], [1], [0, 0, 1, 1], [], []>, transpose_lhs_hint = false} : vector<10000x128xf32>, vector<128x128xf32>, vector<10000x128xf32> -> vector<10000x128xf32>
    %add3A_14 = arith.addf %add3A, %dot_general3A_13 : vector<10000x128xf32>
    %get3A_15 = arith.constant 0 : index
    %get3A_16 = arith.constant 0 : index
    %get3A_17 = vector.load %arg2[%get3A_15, %get3A_16] : memref<10000x128xf32, #tpu.memory_space<vmem>>, vector<10000x128xf32>
    %get3A_18 = arith.constant 0 : index
    %get3A_19 = arith.constant 0 : index
    %get3A_20 = vector.load %arg5[%get3A_18, %get3A_19] : memref<128x128xf32, #tpu.memory_space<vmem>>, vector<128x128xf32>
    %dot_general3A_21 = arith.constant dense<0.000000e+00> : vector<10000x128xf32>
    %dot_general3A_22 = tpu.matmul %get3A_17, %get3A_20, %dot_general3A_21 {dimension_numbers = #tpu.dot_dimension_numbers<[1], [0], [0], [1], [0, 0, 1, 1], [], []>, transpose_lhs_hint = false} : vector<10000x128xf32>, vector<128x128xf32>, vector<10000x128xf32> -> vector<10000x128xf32>
    %add3A_23 = arith.addf %add3A_14, %dot_general3A_22 : vector<10000x128xf32>
    %get3A_24 = arith.constant 0 : index
    %get3A_25 = arith.constant 0 : index
    %get3A_26 = vector.load %arg6[%get3A_24, %get3A_25] : memref<128x128xf32, #tpu.memory_space<vmem>>, vector<128x128xf32>
    %dot_general3A_27 = arith.constant dense<0.000000e+00> : vector<10000x128xf32>
    %dot_general3A_28 = tpu.matmul %add3A_23, %get3A_26, %dot_general3A_27 {dimension_numbers = #tpu.dot_dimension_numbers<[1], [0], [0], [1], [0, 0, 1, 1], [], []>, transpose_lhs_hint = false} : vector<10000x128xf32>, vector<128x128xf32>, vector<10000x128xf32> -> vector<10000x128xf32>
    %swap3A = arith.constant 0 : index
    %swap3A_29 = arith.constant 0 : index
    %swap3A_30 = vector.load %arg7[%swap3A, %swap3A_29] : memref<10000x128xf32, #tpu.memory_space<vmem>>, vector<10000x128xf32>
    tpu.vector_store %arg7[%swap3A, %swap3A_29], %dot_general3A_28 {strides = array<i32>} : memref<10000x128xf32, #tpu.memory_space<vmem>>, vector<10000x128xf32>,
    return
  }
}

</mosaic_0001>

<sc_bundles>
// kernel: kernel.11.cloned.1.call-start
scs
__scs_entry_jumppad:
0x0: {  	(pc) =	sbr.rel $0x88, $3  }
0x1: {  	(tag) =	ssettag $0x0;
	lr =	simm.s32 $0x1  }
0x2: {  	[smem:$0x3F97] =	sst lr;
	_ =	strace $0xD0000000  }
0x3: {  	_ = 	snop  }
0x4: {  	_ = 	snop  }
0x5: {  	_ = 	snop  }
0x6: {  	_ = 	snop  }
0x7: {  	_ = 	snop  }
__scs_overlays_trampoline_lowered:
0x8: {  	[smem:$0x3FA6] =	sst s0  }
0x9: {  	[smem:$0x3FA7] =	sst s1  }
0xa: {  	[smem:$0x3FA8] =	sst s2  }
0xb: {  	[smem:$0x3FA9] =	sst s3  }
0xc: {  	[smem:$0x3FAA] =	sst s4  }
0xd: {  	[smem:$0x3FAB] =	sst s5  }
0xe: {  	[smem:$0x3FAC] =	sst s6  }
0xf: {  	[smem:$0x3FAD] =	sst s7  }
0x10: {  	[smem:$0x3FAE] =	sst s8  }
0x11: {  	[smem:$0x3FAF] =	sst s9;
	s0 =	simm.s32 @!p0 $0x0  }
0x12: {  	s1 =	sld [smem:$0x3F95];
	s0 =	simm.s32 @p0 $0x1  }
0x13: {  	[smem:$0x3FB0] =	sst s0;
	s0 =	simm.s32 @!p1 $0x0  }
0x14: {  	s2 =	sld [smem:$0x3F94];
	s0 =	simm.s32 @p1 $0x1  }
0x15: {  	[smem:$0x3FB1] =	sst s0;
	s0 =	simm.s32 @!p2 $0x0  }
0x16: {  	s3 =	sld [smem:$0x3FDB];
	s0 =	simm.s32 @p2 $0x1  }
0x17: {  	s4 =	simm.s32 $0x1BF5;
	[smem:$0x3FB3] =	sst s0  }
0x18: {  	s0 =	sld [smem:$0x3F96];
	_ =	swait.ge [sflag:s4], $0x0  }
0x19: {  	s7 =	sld [smem:$0x3F97]  }
0x1a: {  	s8 =	sadd.s32 $0xFFFFE003, lr  }
0x1b: {  	s9 =	sadd.s32 $0xFFFFFEF7, lr;
	s5 =	simm.s32 $0xFFFFFFFF;
	p2 =	slt.u32 s8, $0xFFFFF086  }
0x1c: {  	p1 =	slt.u32 s9, $0xF7A;
	s5 =	simm.s32 @!p2 $0x0  }
0x1d: {  	s5 =	simm.s32 @p1 $0x1;
	p0 =	seq.s32 s7, s2  }
0x1e: {  	s7 =	smul.u32 @!p0 $0xF7A, s2;
	p2 =	seq.s32 @!p0 s5, $0x0  }
0x1f: {  	s9 =	smul.u32 $0xF7A, s1;
	s8 =	simm.s32 @!p0 $0x1BF5;
	p2 =	por !p2, p0  }
0x20: {  	[sflag:s8] =	ssyncset.s32 @!p0 $0xFFFFF086;
	s6 =	sadd.s32 @!p0 s3, s7;
	s7 =	simm.s32 @!p0 $0x108  }
0x21: {  	s3 =	sadd.s32 s3, s9;
	s6 =	sadd.s32 @!p0 $0x88, s6;
	s7 =	simm.s32 @p2 $0x1082  }
0x22: {  	[simem:s7], [sflag:s8] =	dma.local @!p0 [hbm:s6], $0xF7A  }
0x23: {  	s9 =	sor.u32 $0xD0000000, s2;
	s6 =	simm.s32 $0x108;
	_ =	swait.ge @!p0 [sflag:s8], $0x0  }
0x24: {  	s3 =	sadd.s32 $0x88, s3;
	s6 =	simm.s32 @!p1 $0x1082;
	[sflag:s4] =	ssyncset.s32 $0xFFFFF086  }
0x25: {  	[simem:s6], [sflag:s4] =	dma.local [hbm:s3], $0xF7A  }
0x26: {  	[smem:$0x3F97] =	sst s1;
	(tag) =	ssettag s2;
	_ =	strace s9  }
0x27: {  	s1 =	sld [smem:$0x3FA7]  }
0x28: {  	s2 =	sld [smem:$0x3FA8]  }
0x29: {  	s4 =	sld [smem:$0x3FAA]  }
0x2a: {  	p0 =	seq.s32 s5, $0x0;
	s5 =	sld [smem:$0x3FAB]  }
0x2b: {  	s6 =	sld [smem:$0x3FAC]  }
0x2c: {  	s7 =	sld [smem:$0x3FAD]  }
0x2d: {  	s3 =	simm.s32 $0x108;
	s8 =	sld [smem:$0x3FAE]  }
0x2e: {  	s3 =	simm.s32 @!p0 $0x1082;
	s9 =	sld [smem:$0x3FAF]  }
0x2f: {  	lr =	sadd.s32 s0, s3;
	s0 =	sld [smem:$0x3FA6]  }
0x30: {  	s3 =	sld [smem:$0x3FA9]  }
0x31: {  	[smem:$0x3FB2] =	sst s10  }
0x32: {  	s10 =	sld [smem:$0x3FB0];
	_ =	sdelay $0x3  }
0x33: {  	p0 =	seq.s32 s10, $0x1;
	s10 =	sld [smem:$0x3FB2];
	_ =	sdelay $0x3  }
0x34: {  	[smem:$0x3FB2] =	sst s10  }
0x35: {  	s10 =	sld [smem:$0x3FB1];
	_ =	sdelay $0x3  }
0x36: {  	p1 =	seq.s32 s10, $0x1;
	s10 =	sld [smem:$0x3FB2];
	_ =	sdelay $0x3  }
0x37: {  	[smem:$0x3FB2] =	sst s10  }
0x38: {  	s10 =	sld [smem:$0x3FB3]  }
0x39: {  	_ = 	snop;
	(pc) =	sbr.ind lr, $3  }
0x3a: {  	_ = 	snop  }
0x3b: {  	_ = 	snop  }
0x3c: {  	p2 =	seq.s32 s10, $0x1;
	s10 =	sld [smem:$0x3FB2]  }
0x3d: {  	_ =	shalt  }
0x3e: {  	_ =	shalt  }
0x3f: {  	_ =	shalt  }
0x40: {  	_ =	shalt  }
0x41: {  	_ =	shalt  }
0x42: {  	_ =	shalt  }
0x43: {  	_ =	shalt  }
0x44: {  	_ =	shalt  }
0x45: {  	_ =	shalt  }
0x46: {  	_ =	shalt  }
0x47: {  	_ =	shalt  }
0x48: {  	_ =	shalt  }
0x49: {  	_ =	shalt  }
0x4a: {  	_ =	shalt  }
0x4b: {  	_ =	shalt  }
0x4c: {  	_ =	shalt  }
0x4d: {  	_ =	shalt  }
0x4e: {  	_ =	shalt  }
0x4f: {  	_ =	shalt  }
0x50: {  	_ =	shalt  }
0x51: {  	_ =	shalt  }
0x52: {  	_ =	shalt  }
0x53: {  	_ =	shalt  }
0x54: {  	_ =	shalt  }
0x55: {  	_ =	shalt  }
0x56: {  	_ =	shalt  }
0x57: {  	_ =	shalt  }
0x58: {  	_ =	shalt  }
0x59: {  	_ =	shalt  }
0x5a: {  	_ =	shalt  }
0x5b: {  	_ =	shalt  }
0x5c: {  	_ =	shalt  }
0x5d: {  	_ =	shalt  }
0x5e: {  	_ =	shalt  }
0x5f: {  	_ =	shalt  }
0x60: {  	_ =	shalt  }
0x61: {  	_ =	shalt  }
0x62: {  	_ =	shalt  }
0x63: {  	_ =	shalt  }
0x64: {  	_ =	shalt  }
0x65: {  	_ =	shalt  }
0x66: {  	_ =	shalt  }
0x67: {  	_ =	shalt  }
0x68: {  	_ =	shalt  }
0x69: {  	_ =	shalt  }
0x6a: {  	_ =	shalt  }
0x6b: {  	_ =	shalt  }
0x6c: {  	_ =	shalt  }
0x6d: {  	_ =	shalt  }
0x6e: {  	_ =	shalt  }
0x6f: {  	_ =	shalt  }
0x70: {  	_ =	shalt  }
0x71: {  	_ =	shalt  }
0x72: {  	_ =	shalt  }
0x73: {  	_ =	shalt  }
0x74: {  	_ =	shalt  }
0x75: {  	_ =	shalt  }
0x76: {  	_ =	shalt  }
0x77: {  	_ =	shalt  }
0x78: {  	_ =	shalt  }
0x79: {  	_ =	shalt  }
0x7a: {  	_ =	shalt  }
0x7b: {  	_ =	shalt  }
0x7c: {  	_ =	shalt  }
0x7d: {  	_ =	shalt  }
0x7e: {  	_ =	shalt  }
0x7f: {  	_ =	shalt  }
0x80: {  	_ =	shalt  }
0x81: {  	_ =	shalt  }
0x82: {  	_ =	shalt  }
0x83: {  	_ =	shalt  }
0x84: {  	_ =	shalt  }
0x85: {  	_ =	shalt  }
0x86: {  	_ =	shalt  }
0x87: {  	_ =	shalt  }
.Lfunc_end0:
.L_simem_size_0:
called_computation_lowered:
.L_overlay_start_0:
0x88: {  	s2 =	sld [smem:$0x3FD9]  }
0x89: {  	s3 =	sld [smem:$0x3FFE];
	_ =	sdelay $0x1  }
0x8a: {  	s1 =	srdreg.scid  }
0x8b: {  	s0 =	sand.u32 $0x1, s1  }
0x8c: {  	s14 =	sshll.u32 s0, $0xA;
	s2 =	sadd.s32 s3, s2  }
0x8d: {  	s2 =	sadd.s32 s2, s14  }
0x8e: {  	[smem:$0x3FBE] =	sst s2  }
0x8f: {  	_ = 	snop  }
0x90: {  	s2 =	sld [smem:$0x3FD0];
	_ =	sdelay $0x2  }
0x91: {  	s15 =	simm.s32 $0xA;
	s4 =	simm.s32 $0x10  }
0x92: {  	[smem:s4], [sflag:s15] =	dma.local [hbm:s2], $0x1  }
0x93: {  	_ =	swait.eq [sflag:s15], $0x1  }
0x94: {  	[sflag:s15] =	ssyncset.done $0x0  }
0x95: {  	[sflag:s15] =	ssyncadd.s32 $0xFFFFFFFF  }
0x96: {  	s16 =	sld [smem:$0x11];
	(tm) =	ssettm $0x1  }
0x97: {  	s17 =	sld [smem:$0x3FFB];
	_ =	sdelay $0x3  }
0x98: {  	_ =	strace s17  }
0x99: {  	s3 =	sld [smem:$0x3FFC];
	_ =	sdelay $0x3  }
0x9a: {  	_ =	strace s3  }
0x9b: {  	s3 =	sld [smem:$0x3FFD];
	_ =	sdelay $0x3  }
0x9c: {  	_ =	strace s3  }
0x9d: {  	_ =	strace $0x8FFFFFFF  }
0x9e: {  	s18 =	sld [smem:$0x3FDB];
	_ =	sdelay $0x1  }
0x9f: {  	s19 =	simm.s32 $_scs_section_size  }
0xa0: {  	s5 =	simm.s32 $_size__tile_overlayer_lowered;
	s6 =	simm.s32 $_tile_overlayer_lowered  }
0xa1: {  	s22 =	simm.s32 $0x1BFF;
	s21 =	sshll.u32 s6, $0x1;
	s3 =	sadd.s32 s19, s18  }
0xa2: {  	s7 =	simm.s32 $0x0;
	s20 =	sshll.u32 s5, $0x1;
	s5 =	sadd.s32 s21, s3  }
0xa3: {  	[timem:s7], [sflag:s22] =	dma.local [hbm:s5], s20  }
0xa4: {  	_ =	swait.ge [sflag:s22], s20  }
0xa5: {  	s4 =	ssub.s32 $0x0, s20;
	[sflag:s22] =	ssyncset.done $0x0  }
0xa6: {  	[sflag:s22] =	ssyncadd.s32 s4;
	_ =	sdelay $0x1  }
0xa7: {  	s23 =	simm.s32 $0x1B8B  }
0xa8: {  	_ =	swait.ge [sflag:s23], $0x1  }
0xa9: {  	[sflag:s23] =	ssyncset.done $0x0  }
0xaa: {  	s25 =	simm.s32 $0x1B8E;
	s24 =	sld [smem:$0x3FFE];
	[sflag:s23] =	ssyncadd.s32 $0xFFFFFFFF  }
0xab: {  	s26 =	simm.s32 $execute0_lowered;
	[smem:$0x3FD2] =	sst s25  }
0xac: {  	s5 =	sshll.u32 s26, $0x1;
	_ =	strace $0x80000046;
	[dreg:$0x1] =	wrdreg $0xFFFFFFFF  }
0xad: {  	s28 =	simm.s32 $_size_execute0_lowered;
	s3 =	sadd.s32 s3, s5;
	[dreg:$0x0] =	wrdreg $0x0  }
0xae: {  	s5 =	sshll.u32 s28, $0x1;
	[dreg:$0x2] =	wrdreg s3  }
0xaf: {  	[dreg:$0x3] =	wrdreg s5  }
0xb0: {  	[dreg:$0x4] =	wrdreg $0xC0  }
0xb1: {  	_ =	task [dreg:s7], $0x5FFFF  }
0xb2: {  	[dreg:$0x1] =	wrdreg $0xFFFFFFFF  }
0xb3: {  	[dreg:$0x0] =	wrdreg $0x60  }
0xb4: {  	[dreg:$0x2] =	wrdreg s16  }
0xb5: {  	[dreg:$0x3] =	wrdreg s24  }
0xb6: {  	[dreg:$0x4] =	wrdreg $0x9  }
0xb7: {  	_ =	task.clear_ibuf [dreg:s7], $0x5FFFF;
	_ =	strace $0x90000046  }
0xb8: {  	s29 =	simm.s32 $0x9;
	_ =	strace $0x80000048  }
0xb9: {  	_ =	swait.ge [sflag:s29], $0x1  }
0xba: {  	[sflag:s29] =	ssyncadd.s32 $0xFFFFFFFF  }
0xbb: {  	_ =	strace $0x90000048  }
0xbc: {  	_ =	sfence  }
0xbd: {  	s30 =	sld [smem:$0x0];
	_ =	sdelay $0x2  }
0xbe: {  	s31 =	sshll.u32 s1, $0xD;
	s1 =	sshrl.u32 s1, $0x2  }
0xbf: {  	s3 =	sand.u32 $0x4000, s31;
	s1 =	sadd.s32 s1, s30  }
0xc0: {  	s0 =	sor.u32 s3, s0;
	s1 =	sshll.u32 s1, $0x11  }
0xc1: {  	s0 =	sor.u32 s1, s0  }
0xc2: {  	s0 =	sadd.s32 $0x8F2B, s0  }
0xc3: {  	[sflag:s0] =	ssyncadd.remote.s32 $0x1  }
0xc4: {  	_ =	sfence.sel $0xFFFF  }
0xc5: {  	[dreg:$0x0] =	wrdreg $0xFFFFFFFF;
	(pc) =	sbr.abs _section_cstart, $3  }
0xc6: {  	[dreg:$0x1] =	wrdreg $0xFFFFFFFF  }
0xc7: {  	_ =	task.clear_ibuf [dreg:s7], $0x2FFFF;
	_ =	strace $0x9FFFFFFF  }
0xc8: {  	(tm) =	ssettm $0x7FFFFFFF  }
0xc9: {  	_ =	shalt  }
tec
execute0_lowered:
.L_overlay_start_1:
0x0: {  	(tag) =	ssettag $0x1  }
0x1: {  	s1 =	rddreg [dreg:$0x0]  }
0x2: {  	s5 =	rddreg [dreg:$0x1]  }
0x3: {  	s0 =	rddreg [dreg:$0x2]  }
0x4: {  	s3 =	simm.s32 $0x0;
	s4 =	srdreg.scid;
	s2 =	stileid.u32  }
0x5: {  	[smem:$0x7FF] =	sst s3;
	s6 =	sand.u32 $0x1, s4;
	s4 =	sadd.s32 $0x1C000, s5  }
0x6: {  	s7 =	sshll.u32 s2, $0x5;
	s9 =	sshll.u32 s2, $0xC;
	_ =	strace $0x80000047  }
0x7: {  	s8 =	ssub.s32 $0x2, s6;
	s7 =	sadd.s32 s7, s5;
	s9 =	sadd.s32 s9, s5  }
0x8: {  	s31 =	sshll.u32 s6, $0x4;
	s11 =	sshll.u32 s6, $0xB;
	s10 =	sshrl.u32 s8, $0x1  }
0x9: {  	s5 =	sshll.u32 s2, $0x1;
	s11 =	sadd.s32 s11, s9;
	s8 =	ssub.s32 s8, s10  }
0xa: {  	s10 =	sadd.s32 s31, s7;
	s9 =	sadd.s32 $0x525200, s11;
	s6 =	smax.u32 s8, $0x1  }
0xb: {  	s7 =	sadd.s32 $0x8400, s10;
	s8 =	sadd.s32 $0x12200, s10;
	s10 =	sadd.s32 $0x43200, s11  }
.LBB2_1:
0xc: {  	p0 =	sgt.u32 s5, $0x9C3  }
0xd: {  	s11 =	sadd.s32 @!p0 $0x0, s8;
	s12 =	simm.s32 @!p0 $0x0;
	s15 =	simm.s32 @!p0 $0x4  }
0xe: {  	[tilespmem:s12], [sflag:$0x4] =	stream.linear.gather @!p0 [hbm4b:s11+s12], $0x80, $0x38;
	[tilespmem:$0x8100] =	vst v63  }
0xf: {  	_ =	swait.ge @!p0 [sflag:s15], $0x80;
	p0 =	por p0, p0  }
0x10: {  	[sflag:s15] =	ssyncset.done @!p0 $0x0  }
0x11: {  	s11 =	sadd.s32 @!p0 $0x0, s7;
	s13 =	simm.s32 @!p0 $0x80;
	[sflag:s15] =	ssyncadd.s32 @!p0 $0xFFFFFF80  }
0x12: {  	[tilespmem:s13], [sflag:$0x4] =	stream.linear.gather @!p0 [hbm4b:s11+s12], $0x80, $0x38;
	[tilespmem:$0x8100] =	vst v63  }
0x13: {  	_ =	swait.ge @!p0 [sflag:s15], $0x80  }
0x14: {  	[sflag:s15] =	ssyncset.done @!p0 $0x0  }
0x15: {  	s11 =	simm.s32 @!p0 $0x100;
	[sflag:s15] =	ssyncadd.s32 @!p0 $0xFFFFFF80  }
0x16: {  	[tilespmem:s11], [sflag:$0x1] =	stream.indirect.gather @!p0 [hbm4b:s1+s13], $0x80, s12, s13, $0xb8;
	[tilespmem:$0x8100] =	vst v63  }
0x17: {  	s16 =	simm.s32 @!p0 $0x4100;
	s14 =	simm.s32 @!p0 $0x1  }
0x18: {  	[tilespmem:s16], [sflag:$0x2] =	stream.indirect.gather @!p0 [hbm4b:s4+s13], $0x80, s13, s13, $0xb8;
	[tilespmem:$0x8100] =	vst v63  }
0x19: {  	_ =	swait.ge @!p0 [sflag:s14], $0x4000  }
0x1a: {  	[sflag:s14] =	ssyncset.done @!p0 $0x0  }
0x1b: {  	s13 =	simm.s32 @!p0 $0x2;
	[sflag:s14] =	ssyncadd.s32 @!p0 $0xFFFFC000  }
0x1c: {  	_ =	swait.ge @!p0 [sflag:s13], $0x4000  }
0x1d: {  	[sflag:s13] =	ssyncset.done @!p0 $0x0  }
0x1e: {  	[sflag:s13] =	ssyncadd.s32 @!p0 $0xFFFFC000  }
0x1f: {  	[hbm4b:s10+s12] =	stream.linear.scatter @!p0 [tilespmem:s11], [sflag:$0x4], $0x4000, $0x38;
	[tilespmem:$0x8100] =	vst v63  }
0x20: {  	_ =	swait.ge @!p0 [sflag:s15], $0x4000  }
0x21: {  	[sflag:s15] =	ssyncset.done @!p0 $0x0  }
0x22: {  	s14 =	simm.s32 $0x400;
	s13 =	simm.s32 $0x200;
	[sflag:s15] =	ssyncadd.s32 @!p0 $0xFFFFC000  }
0x23: {  	[hbm4b:s9+s12] =	stream.linear.scatter @!p0 [tilespmem:s16], [sflag:$0x3], $0x4000, $0x38;
	[tilespmem:$0x8100] =	vst v63  }
0x24: {  	s11 =	sadd.s32 $0x10000, s10;
	s15 =	sadd.s32 $0x20, s5;
	s16 =	simm.s32 @!p0 $0x3  }
0x25: {  	p2 =	sgt.u32 s15, $0x9C3;
	s12 =	sadd.s32 $0x10000, s9;
	_ =	swait.ge @!p0 [sflag:s16], $0x4000  }
.LBB2_2:
0x26: {  	s17 =	sadd.s32 @!p2 s13, s8  }
0x27: {  	s18 =	simm.s32 @!p2 $0x0;
	[sflag:s16] =	ssyncset.done @!p0 $0x0;
	s19 =	smov.u32 s14  }
0x28: {  	s14 =	sadd.s32 $0x200, s14;
	s20 =	simm.s32 @!p2 $0x4;
	[sflag:s16] =	ssyncadd.s32 @!p0 $0xFFFFC000  }
0x29: {  	[tilespmem:s18], [sflag:$0x4] =	stream.linear.gather @!p2 [hbm4b:s17+s18], $0x80, $0x38;
	[tilespmem:$0x8100] =	vst v63  }
0x2a: {  	p1 =	sne.s32 s14, $0x9E00;
	p0 =	por p2, p2;
	_ =	swait.ge @!p2 [sflag:s20], $0x80  }
0x2b: {  	[sflag:s20] =	ssyncset.done @!p0 $0x0  }
0x2c: {  	s13 =	sadd.s32 @!p0 s13, s7;
	s16 =	simm.s32 @!p0 $0x80;
	[sflag:s20] =	ssyncadd.s32 @!p0 $0xFFFFFF80  }
0x2d: {  	[tilespmem:s16], [sflag:$0x4] =	stream.linear.gather @!p0 [hbm4b:s13+s18], $0x80, $0x38;
	[tilespmem:$0x8100] =	vst v63  }
0x2e: {  	s13 =	smov.u32 s19;
	_ =	swait.ge @!p0 [sflag:s20], $0x80  }
0x2f: {  	[sflag:s20] =	ssyncset.done @!p0 $0x0  }
0x30: {  	s17 =	simm.s32 @!p0 $0x100;
	[sflag:s20] =	ssyncadd.s32 @!p0 $0xFFFFFF80  }
0x31: {  	[tilespmem:s17], [sflag:$0x1] =	stream.indirect.gather @!p0 [hbm4b:s1+s16], $0x80, s18, s16, $0xb8;
	[tilespmem:$0x8100] =	vst v63  }
0x32: {  	s21 =	simm.s32 @!p0 $0x1;
	s19 =	simm.s32 @!p0 $0x4100  }
0x33: {  	[tilespmem:s19], [sflag:$0x2] =	stream.indirect.gather @!p0 [hbm4b:s4+s16], $0x80, s16, s16, $0xb8;
	[tilespmem:$0x8100] =	vst v63  }
0x34: {  	_ =	swait.ge @!p0 [sflag:s21], $0x4000  }
0x35: {  	[sflag:s21] =	ssyncset.done @!p0 $0x0  }
0x36: {  	s16 =	simm.s32 @!p0 $0x2;
	[sflag:s21] =	ssyncadd.s32 @!p0 $0xFFFFC000  }
0x37: {  	_ =	swait.ge @!p0 [sflag:s16], $0x4000  }
0x38: {  	[sflag:s16] =	ssyncset.done @!p0 $0x0  }
0x39: {  	[sflag:s16] =	ssyncadd.s32 @!p0 $0xFFFFC000  }
0x3a: {  	[hbm4b:s11+s18] =	stream.linear.scatter @!p0 [tilespmem:s17], [sflag:$0x4], $0x4000, $0x38;
	[tilespmem:$0x8100] =	vst v63  }
.Ltmp0:
0x3b: {  	_ =	swait.ge @!p0 [sflag:s20], $0x4000;
	(pc) =	sbr.rel @p1 .LBB2_2-.Ltmp0, $4  }
0x3c: {  	s11 =	sadd.s32 $0x10000, s11;
	[sflag:s20] =	ssyncset.done @!p0 $0x0  }
0x3d: {  	s15 =	sadd.s32 $0x20, s15;
	s16 =	simm.s32 @!p0 $0x3;
	[sflag:s20] =	ssyncadd.s32 @!p0 $0xFFFFC000  }
0x3e: {  	[hbm4b:s12+s18] =	stream.linear.scatter @!p0 [tilespmem:s19], [sflag:$0x3], $0x4000, $0x38;
	[tilespmem:$0x8100] =	vst v63  }
0x3f: {  	p2 =	sgt.u32 s15, $0x9C3;
	s12 =	sadd.s32 $0x10000, s12;
	_ =	swait.ge @!p0 [sflag:s16], $0x4000  }
0x40: {  	s14 =	sadd.s32 @!p2 s13, s8;
	[sflag:s16] =	ssyncset.done @!p0 $0x0  }
0x41: {  	s15 =	simm.s32 @!p2 $0x0;
	s17 =	simm.s32 @!p2 $0x4;
	[sflag:s16] =	ssyncadd.s32 @!p0 $0xFFFFC000  }
0x42: {  	[tilespmem:s15], [sflag:$0x4] =	stream.linear.gather @!p2 [hbm4b:s14+s15], $0x80, $0x38;
	[tilespmem:$0x8100] =	vst v63  }
0x43: {  	p0 =	por p2, p2;
	_ =	swait.ge @!p2 [sflag:s17], $0x80  }
0x44: {  	[sflag:s17] =	ssyncset.done @!p0 $0x0  }
0x45: {  	s13 =	sadd.s32 @!p0 s13, s7;
	s14 =	simm.s32 @!p0 $0x80;
	[sflag:s17] =	ssyncadd.s32 @!p0 $0xFFFFFF80  }
0x46: {  	[tilespmem:s14], [sflag:$0x4] =	stream.linear.gather @!p0 [hbm4b:s13+s15], $0x80, $0x38;
	[tilespmem:$0x8100] =	vst v63  }
0x47: {  	_ =	swait.ge @!p0 [sflag:s17], $0x80  }
0x48: {  	[sflag:s17] =	ssyncset.done @!p0 $0x0  }
0x49: {  	s13 =	simm.s32 @!p0 $0x100;
	[sflag:s17] =	ssyncadd.s32 @!p0 $0xFFFFFF80  }
0x4a: {  	[tilespmem:s13], [sflag:$0x1] =	stream.indirect.gather @!p0 [hbm4b:s1+s14], $0x80, s15, s14, $0xb8;
	[tilespmem:$0x8100] =	vst v63  }
0x4b: {  	s16 =	simm.s32 @!p0 $0x4100;
	s18 =	simm.s32 @!p0 $0x1  }
0x4c: {  	[tilespmem:s16], [sflag:$0x2] =	stream.indirect.gather @!p0 [hbm4b:s4+s14], $0x80, s14, s14, $0xb8;
	[tilespmem:$0x8100] =	vst v63  }
0x4d: {  	_ =	swait.ge @!p0 [sflag:s18], $0x4000  }
0x4e: {  	[sflag:s18] =	ssyncset.done @!p0 $0x0  }
0x4f: {  	s14 =	simm.s32 @!p0 $0x2;
	[sflag:s18] =	ssyncadd.s32 @!p0 $0xFFFFC000  }
0x50: {  	_ =	swait.ge @!p0 [sflag:s14], $0x4000  }
0x51: {  	[sflag:s14] =	ssyncset.done @!p0 $0x0  }
0x52: {  	[sflag:s14] =	ssyncadd.s32 @!p0 $0xFFFFC000  }
0x53: {  	[hbm4b:s11+s15] =	stream.linear.scatter @!p0 [tilespmem:s13], [sflag:$0x4], $0x4000, $0x38;
	[tilespmem:$0x8100] =	vst v63  }
0x54: {  	s3 =	sadd.s32 $0x1, s3;
	_ =	swait.ge @!p0 [sflag:s17], $0x4000  }
0x55: {  	p1 =	sne.s32 s3, s6;
	[sflag:s17] =	ssyncset.done @!p0 $0x0  }
.Ltmp1:
0x56: {  	s11 =	simm.s32 @!p0 $0x3;
	[sflag:s17] =	ssyncadd.s32 @!p0 $0xFFFFC000;
	(pc) =	sbr.rel @p1 .LBB2_1-.Ltmp1, $4  }
0x57: {  	[hbm4b:s12+s15] =	stream.linear.scatter @!p0 [tilespmem:s16], [sflag:$0x3], $0x4000, $0x38;
	[tilespmem:$0x8100] =	vst v63  }
0x58: {  	_ =	swait.ge @!p0 [sflag:s11], $0x4000  }
0x59: {  	[sflag:s11] =	ssyncset.done @!p0 $0x0  }
0x5a: {  	[sflag:s11] =	ssyncadd.s32 @!p0 $0xFFFFC000  }
0x5b: {  	_ =	sfence.sel $0x180000  }
0x5c: {  	[bflag:$0x0] =	sbarrier.arrive $0xFFFF  }
0x5d: {  	p0 =	sne.s32 s2, $0x0;
	_ =	strace $0x90000047  }
0x5e: {  	s0 =	sadd.s32 @!p0 $0x100000, s0;
	[bflag:$0x2] =	sbarrier.arrive $0xFFFF  }
0x5f: {  	[sflag:s0] =	ssyncadd.tile.s32 @!p0 $0x1;
	_ =	shalt  }
.Lfunc_end2:
_tile_overlayer_lowered:
.L_overlay_start_2:
0x60: {  	(tag) =	ssettag $0x2  }
0x61: {  	s0 =	rddreg [dreg:$0x0];
	s2 =	stileid.u32  }
0x62: {  	s1 =	rddreg [dreg:$0x1];
	p0 =	sne.s32 s2, $0x0  }
0x63: {  	s3 =	rddreg [dreg:$0x2];
	[bflag:$0x3] =	sbarrier.arrive $0xFFFF;
	s2 =	simm.s32 @!p0 $0x1C03  }
0x64: {  	[timem:s3], [sflag:s2] =	dma.local @!p0 [hbm:s0], s1  }
0x65: {  	s0 =	simm.s32 @!p0 $0x3  }
0x66: {  	_ =	swait.ge @!p0 [sflag:s0], s1  }
0x67: {  	s1 =	ssub.s32 @!p0 $0x0, s1;
	[sflag:s0] =	ssyncset.done @!p0 $0x0  }
0x68: {  	[sflag:s0] =	ssyncadd.s32 @!p0 s1  }
0x69: {  	[bflag:$0x3] =	sbarrier.arrive $0xFFFF  }
0x6a: {  	_ =	shalt  }

// kernel: kernel.14.cloned.1.call-start
scs
__scs_entry_jumppad:
0x0: {  	(pc) =	sbr.rel $0x88, $3  }
0x1: {  	(tag) =	ssettag $0x0;
	lr =	simm.s32 $0x1  }
0x2: {  	[smem:$0x3F97] =	sst lr;
	_ =	strace $0xD0000000  }
0x3: {  	_ = 	snop  }
0x4: {  	_ = 	snop  }
0x5: {  	_ = 	snop  }
0x6: {  	_ = 	snop  }
0x7: {  	_ = 	snop  }
__scs_overlays_trampoline_lowered:
0x8: {  	[smem:$0x3FA6] =	sst s0  }
0x9: {  	[smem:$0x3FA7] =	sst s1  }
0xa: {  	[smem:$0x3FA8] =	sst s2  }
0xb: {  	[smem:$0x3FA9] =	sst s3  }
0xc: {  	[smem:$0x3FAA] =	sst s4  }
0xd: {  	[smem:$0x3FAB] =	sst s5  }
0xe: {  	[smem:$0x3FAC] =	sst s6  }
0xf: {  	[smem:$0x3FAD] =	sst s7  }
0x10: {  	[smem:$0x3FAE] =	sst s8  }
0x11: {  	[smem:$0x3FAF] =	sst s9;
	s0 =	simm.s32 @!p0 $0x0  }
0x12: {  	s1 =	sld [smem:$0x3F95];
	s0 =	simm.s32 @p0 $0x1  }
0x13: {  	[smem:$0x3FB0] =	sst s0;
	s0 =	simm.s32 @!p1 $0x0  }
0x14: {  	s2 =	sld [smem:$0x3F94];
	s0 =	simm.s32 @p1 $0x1  }
0x15: {  	[smem:$0x3FB1] =	sst s0;
	s0 =	simm.s32 @!p2 $0x0  }
0x16: {  	s3 =	sld [smem:$0x3FDB];
	s0 =	simm.s32 @p2 $0x1  }
0x17: {  	s4 =	simm.s32 $0x1BF5;
	[smem:$0x3FB3] =	sst s0  }
0x18: {  	s0 =	sld [smem:$0x3F96];
	_ =	swait.ge [sflag:s4], $0x0  }
0x19: {  	s7 =	sld [smem:$0x3F97]  }
0x1a: {  	s8 =	sadd.s32 $0xFFFFE003, lr  }
0x1b: {  	s9 =	sadd.s32 $0xFFFFFEF7, lr;
	s5 =	simm.s32 $0xFFFFFFFF;
	p2 =	slt.u32 s8, $0xFFFFF086  }
0x1c: {  	p1 =	slt.u32 s9, $0xF7A;
	s5 =	simm.s32 @!p2 $0x0  }
0x1d: {  	s5 =	simm.s32 @p1 $0x1;
	p0 =	seq.s32 s7, s2  }
0x1e: {  	s7 =	smul.u32 @!p0 $0xF7A, s2;
	p2 =	seq.s32 @!p0 s5, $0x0  }
0x1f: {  	s9 =	smul.u32 $0xF7A, s1;
	s8 =	simm.s32 @!p0 $0x1BF5;
	p2 =	por !p2, p0  }
0x20: {  	[sflag:s8] =	ssyncset.s32 @!p0 $0xFFFFF086;
	s6 =	sadd.s32 @!p0 s3, s7;
	s7 =	simm.s32 @!p0 $0x108  }
0x21: {  	s3 =	sadd.s32 s3, s9;
	s6 =	sadd.s32 @!p0 $0x88, s6;
	s7 =	simm.s32 @p2 $0x1082  }
0x22: {  	[simem:s7], [sflag:s8] =	dma.local @!p0 [hbm:s6], $0xF7A  }
0x23: {  	s9 =	sor.u32 $0xD0000000, s2;
	s6 =	simm.s32 $0x108;
	_ =	swait.ge @!p0 [sflag:s8], $0x0  }
0x24: {  	s3 =	sadd.s32 $0x88, s3;
	s6 =	simm.s32 @!p1 $0x1082;
	[sflag:s4] =	ssyncset.s32 $0xFFFFF086  }
0x25: {  	[simem:s6], [sflag:s4] =	dma.local [hbm:s3], $0xF7A  }
0x26: {  	[smem:$0x3F97] =	sst s1;
	(tag) =	ssettag s2;
	_ =	strace s9  }
0x27: {  	s1 =	sld [smem:$0x3FA7]  }
0x28: {  	s2 =	sld [smem:$0x3FA8]  }
0x29: {  	s4 =	sld [smem:$0x3FAA]  }
0x2a: {  	p0 =	seq.s32 s5, $0x0;
	s5 =	sld [smem:$0x3FAB]  }
0x2b: {  	s6 =	sld [smem:$0x3FAC]  }
0x2c: {  	s7 =	sld [smem:$0x3FAD]  }
0x2d: {  	s3 =	simm.s32 $0x108;
	s8 =	sld [smem:$0x3FAE]  }
0x2e: {  	s3 =	simm.s32 @!p0 $0x1082;
	s9 =	sld [smem:$0x3FAF]  }
0x2f: {  	lr =	sadd.s32 s0, s3;
	s0 =	sld [smem:$0x3FA6]  }
0x30: {  	s3 =	sld [smem:$0x3FA9]  }
0x31: {  	[smem:$0x3FB2] =	sst s10  }
0x32: {  	s10 =	sld [smem:$0x3FB0];
	_ =	sdelay $0x3  }
0x33: {  	p0 =	seq.s32 s10, $0x1;
	s10 =	sld [smem:$0x3FB2];
	_ =	sdelay $0x3  }
0x34: {  	[smem:$0x3FB2] =	sst s10  }
0x35: {  	s10 =	sld [smem:$0x3FB1];
	_ =	sdelay $0x3  }
0x36: {  	p1 =	seq.s32 s10, $0x1;
	s10 =	sld [smem:$0x3FB2];
	_ =	sdelay $0x3  }
0x37: {  	[smem:$0x3FB2] =	sst s10  }
0x38: {  	s10 =	sld [smem:$0x3FB3]  }
0x39: {  	_ = 	snop;
	(pc) =	sbr.ind lr, $3  }
0x3a: {  	_ = 	snop  }
0x3b: {  	_ = 	snop  }
0x3c: {  	p2 =	seq.s32 s10, $0x1;
	s10 =	sld [smem:$0x3FB2]  }
0x3d: {  	_ =	shalt  }
0x3e: {  	_ =	shalt  }
0x3f: {  	_ =	shalt  }
0x40: {  	_ =	shalt  }
0x41: {  	_ =	shalt  }
0x42: {  	_ =	shalt  }
0x43: {  	_ =	shalt  }
0x44: {  	_ =	shalt  }
0x45: {  	_ =	shalt  }
0x46: {  	_ =	shalt  }
0x47: {  	_ =	shalt  }
0x48: {  	_ =	shalt  }
0x49: {  	_ =	shalt  }
0x4a: {  	_ =	shalt  }
0x4b: {  	_ =	shalt  }
0x4c: {  	_ =	shalt  }
0x4d: {  	_ =	shalt  }
0x4e: {  	_ =	shalt  }
0x4f: {  	_ =	shalt  }
0x50: {  	_ =	shalt  }
0x51: {  	_ =	shalt  }
0x52: {  	_ =	shalt  }
0x53: {  	_ =	shalt  }
0x54: {  	_ =	shalt  }
0x55: {  	_ =	shalt  }
0x56: {  	_ =	shalt  }
0x57: {  	_ =	shalt  }
0x58: {  	_ =	shalt  }
0x59: {  	_ =	shalt  }
0x5a: {  	_ =	shalt  }
0x5b: {  	_ =	shalt  }
0x5c: {  	_ =	shalt  }
0x5d: {  	_ =	shalt  }
0x5e: {  	_ =	shalt  }
0x5f: {  	_ =	shalt  }
0x60: {  	_ =	shalt  }
0x61: {  	_ =	shalt  }
0x62: {  	_ =	shalt  }
0x63: {  	_ =	shalt  }
0x64: {  	_ =	shalt  }
0x65: {  	_ =	shalt  }
0x66: {  	_ =	shalt  }
0x67: {  	_ =	shalt  }
0x68: {  	_ =	shalt  }
0x69: {  	_ =	shalt  }
0x6a: {  	_ =	shalt  }
0x6b: {  	_ =	shalt  }
0x6c: {  	_ =	shalt  }
0x6d: {  	_ =	shalt  }
0x6e: {  	_ =	shalt  }
0x6f: {  	_ =	shalt  }
0x70: {  	_ =	shalt  }
0x71: {  	_ =	shalt  }
0x72: {  	_ =	shalt  }
0x73: {  	_ =	shalt  }
0x74: {  	_ =	shalt  }
0x75: {  	_ =	shalt  }
0x76: {  	_ =	shalt  }
0x77: {  	_ =	shalt  }
0x78: {  	_ =	shalt  }
0x79: {  	_ =	shalt  }
0x7a: {  	_ =	shalt  }
0x7b: {  	_ =	shalt  }
0x7c: {  	_ =	shalt  }
0x7d: {  	_ =	shalt  }
0x7e: {  	_ =	shalt  }
0x7f: {  	_ =	shalt  }
0x80: {  	_ =	shalt  }
0x81: {  	_ =	shalt  }
0x82: {  	_ =	shalt  }
0x83: {  	_ =	shalt  }
0x84: {  	_ =	shalt  }
0x85: {  	_ =	shalt  }
0x86: {  	_ =	shalt  }
0x87: {  	_ =	shalt  }
.Lfunc_end0:
.L_simem_size_0:
called_computation.1_lowered:
.L_overlay_start_0:
0x88: {  	s2 =	sld [smem:$0x3FD9]  }
0x89: {  	s3 =	sld [smem:$0x3FFE];
	_ =	sdelay $0x1  }
0x8a: {  	s1 =	srdreg.scid  }
0x8b: {  	s0 =	sand.u32 $0x1, s1  }
0x8c: {  	s14 =	sshll.u32 s0, $0xA;
	s2 =	sadd.s32 s3, s2  }
0x8d: {  	s2 =	sadd.s32 s2, s14  }
0x8e: {  	[smem:$0x3FBE] =	sst s2  }
0x8f: {  	_ = 	snop  }
0x90: {  	s2 =	sld [smem:$0x3FD0];
	_ =	sdelay $0x2  }
0x91: {  	s15 =	simm.s32 $0xA;
	s4 =	simm.s32 $0x10  }
0x92: {  	[smem:s4], [sflag:s15] =	dma.local [hbm:s2], $0x1  }
0x93: {  	_ =	swait.eq [sflag:s15], $0x1  }
0x94: {  	[sflag:s15] =	ssyncset.done $0x0  }
0x95: {  	[sflag:s15] =	ssyncadd.s32 $0xFFFFFFFF  }
0x96: {  	s16 =	sld [smem:$0x11];
	(tm) =	ssettm $0x1  }
0x97: {  	s17 =	sld [smem:$0x3FFB];
	_ =	sdelay $0x3  }
0x98: {  	_ =	strace s17  }
0x99: {  	s3 =	sld [smem:$0x3FFC];
	_ =	sdelay $0x3  }
0x9a: {  	_ =	strace s3  }
0x9b: {  	s3 =	sld [smem:$0x3FFD];
	_ =	sdelay $0x3  }
0x9c: {  	_ =	strace s3  }
0x9d: {  	_ =	strace $0x8FFFFFFF  }
0x9e: {  	s18 =	sld [smem:$0x3FDB];
	_ =	sdelay $0x1  }
0x9f: {  	s19 =	simm.s32 $_scs_section_size  }
0xa0: {  	s5 =	simm.s32 $_size__tile_overlayer_lowered;
	s6 =	simm.s32 $_tile_overlayer_lowered  }
0xa1: {  	s22 =	simm.s32 $0x1BFF;
	s21 =	sshll.u32 s6, $0x1;
	s3 =	sadd.s32 s19, s18  }
0xa2: {  	s7 =	simm.s32 $0x0;
	s20 =	sshll.u32 s5, $0x1;
	s5 =	sadd.s32 s21, s3  }
0xa3: {  	[timem:s7], [sflag:s22] =	dma.local [hbm:s5], s20  }
0xa4: {  	_ =	swait.ge [sflag:s22], s20  }
0xa5: {  	s4 =	ssub.s32 $0x0, s20;
	[sflag:s22] =	ssyncset.done $0x0  }
0xa6: {  	[sflag:s22] =	ssyncadd.s32 s4;
	_ =	sdelay $0x1  }
0xa7: {  	s23 =	simm.s32 $0x1B8B  }
0xa8: {  	_ =	swait.ge [sflag:s23], $0x1  }
0xa9: {  	[sflag:s23] =	ssyncset.done $0x0  }
0xaa: {  	s25 =	simm.s32 $0x1B8E;
	s24 =	sld [smem:$0x3FFE];
	[sflag:s23] =	ssyncadd.s32 $0xFFFFFFFF  }
0xab: {  	s26 =	simm.s32 $execute0_lowered;
	[smem:$0x3FD2] =	sst s25  }
0xac: {  	s5 =	sshll.u32 s26, $0x1;
	_ =	strace $0x80000049;
	[dreg:$0x1] =	wrdreg $0xFFFFFFFF  }
0xad: {  	s28 =	simm.s32 $_size_execute0_lowered;
	s3 =	sadd.s32 s3, s5;
	[dreg:$0x0] =	wrdreg $0x0  }
0xae: {  	s5 =	sshll.u32 s28, $0x1;
	[dreg:$0x2] =	wrdreg s3  }
0xaf: {  	[dreg:$0x3] =	wrdreg s5  }
0xb0: {  	[dreg:$0x4] =	wrdreg $0xC0  }
0xb1: {  	_ =	task [dreg:s7], $0x5FFFF  }
0xb2: {  	[dreg:$0x1] =	wrdreg $0xFFFFFFFF  }
0xb3: {  	[dreg:$0x0] =	wrdreg $0x60  }
0xb4: {  	[dreg:$0x2] =	wrdreg s24  }
0xb5: {  	[dreg:$0x3] =	wrdreg s16  }
0xb6: {  	[dreg:$0x4] =	wrdreg $0x40800  }
0xb7: {  	[dreg:$0x5] =	wrdreg $0x9  }
0xb8: {  	_ =	task.clear_ibuf [dreg:s7], $0x6FFFF;
	_ =	strace $0x90000049  }
0xb9: {  	s29 =	simm.s32 $0x9;
	_ =	strace $0x8000004B  }
0xba: {  	_ =	swait.ge [sflag:s29], $0x1  }
0xbb: {  	[sflag:s29] =	ssyncadd.s32 $0xFFFFFFFF  }
0xbc: {  	_ =	strace $0x9000004B  }
0xbd: {  	_ =	sfence  }
0xbe: {  	s30 =	sld [smem:$0x0];
	_ =	sdelay $0x2  }
0xbf: {  	s31 =	sshll.u32 s1, $0xD;
	s1 =	sshrl.u32 s1, $0x2  }
0xc0: {  	s3 =	sand.u32 $0x4000, s31;
	s1 =	sadd.s32 s1, s30  }
0xc1: {  	s0 =	sor.u32 s3, s0;
	s1 =	sshll.u32 s1, $0x11  }
0xc2: {  	s0 =	sor.u32 s1, s0  }
0xc3: {  	s0 =	sadd.s32 $0x8F2B, s0  }
0xc4: {  	[sflag:s0] =	ssyncadd.remote.s32 $0x1  }
0xc5: {  	_ =	sfence.sel $0xFFFF  }
0xc6: {  	[dreg:$0x0] =	wrdreg $0xFFFFFFFF;
	(pc) =	sbr.abs _section_cstart, $3  }
0xc7: {  	[dreg:$0x1] =	wrdreg $0xFFFFFFFF  }
0xc8: {  	_ =	task.clear_ibuf [dreg:s7], $0x2FFFF;
	_ =	strace $0x9FFFFFFF  }
0xc9: {  	(tm) =	ssettm $0x7FFFFFFF  }
tec
execute0_lowered:
.L_overlay_start_1:
0x0: {  	(tag) =	ssettag $0x1  }
0x1: {  	s9 =	rddreg [dreg:$0x0]  }
0x2: {  	s1 =	rddreg [dreg:$0x1]  }
0x3: {  	s2 =	rddreg [dreg:$0x2]  }
0x4: {  	s0 =	rddreg [dreg:$0x3];
	s3 =	simm.s32 $0x0  }
0x5: {  	s4 =	stileid.u32;
	s6 =	srdreg.scid;
	s17 =	simm.s32 $0x1  }
0x6: {  	[smem:$0x7FF] =	sst s3;
	s5 =	sshll.u32 s4, $0xB;
	s11 =	smul.u32 $0x2700, s4  }
0x7: {  	s19 =	sand.u32 $0x1, s6;
	s29 =	sshll.u32 s4, $0x4;
	s7 =	smul.u32 $0x4E000, s4  }
0x8: {  	s31 =	sshll.u32 s4, $0x6;
	p0 =	sne.s32 s4, $0x0;
	p2 =	seq.s32 s4, $0x0  }
0x9: {  	_ =	strace $0x8000004A;
	s14 =	sadd.s32 s5, s9;
	s6 =	ssub.s32 $0x2, s19  }
0xa: {  	s15 =	sadd.s32 s29, s9;
	s5 =	sadd.s32 $0x43200, s9;
	p1 =	sne.s32 s19, $0x0  }
0xb: {  	s8 =	sadd.s32 s11, s9;
	s10 =	sshrl.u32 s6, $0x1;
	s30 =	sshrl.u32 s7, $0x2  }
.Ltmp0:
0xc: {  	s7 =	sor.u32 $0x1C01, s31;
	s9 =	sadd.s32 $0x43000, s9;
	(pc) =	sbr.rel .LBB2_1-.Ltmp0, $4  }
0xd: {  	s13 =	sadd.s32 $0x8400, s15;
	s14 =	sadd.s32 $0xEE9A00, s14;
	s15 =	sadd.s32 $0x12200, s15  }
0xe: {  	s12 =	ssub.s32 s6, s10;
	s16 =	sadd.s32 s30, s2;
	s6 =	sadd.s32 $0x1C000, s8  }
0xf: {  	s8 =	sadd.s32 $0x138000, s2;
	s10 =	sadd.s32 s5, s11;
	s11 =	sadd.s32 s1, s11  }
0x10: {  	s12 =	smax.u32 s12, $0x1;
	s16 =	sshrl.u32 s16, $0x3;
	s18 =	sshrl.u32 @!p0 s8, $0x3  }
.LBB2_8:
0x11: {  	s19 =	sadd.s32 $0x27000, s19;
	s20 =	sshrl.u32 s8, $0x3  }
0x12: {  	[hbm:s19], [sflag:s7] =	dma.local [spmem:s20], $0x100  }
0x13: {  	_ =	swait.ge [sflag:s17], $0x100  }
0x14: {  	[sflag:s17] =	ssyncset.done $0x0  }
0x15: {  	[sflag:s17] =	ssyncadd.s32 $0xFFFFFF00  }
.LBB2_9:
0x16: {  	s3 =	sadd.s32 $0x1, s3  }
0x17: {  	p3 =	sne.s32 s3, s12  }
.Ltmp1:
0x18: {  	_ = 	snop;
	(pc) =	sbr.rel @!p3 .LBB2_10-.Ltmp1, $1  }
0x19: {  	_ =	sdelay $0x3  }
.LBB2_1:
0x1a: {  	[spmem:s16], [sflag:s7] =	dma.local [hbm:s6], $0x2700  }
0x1b: {  	_ =	swait.ge [sflag:s17], $0x2700  }
0x1c: {  	[sflag:s17] =	ssyncset.done $0x0  }
0x1d: {  	s19 =	simm.s32 @!p0 $0x1;
	[sflag:s17] =	ssyncadd.s32 $0xFFFFD900  }
0x1e: {  	[spmem:s18], [sflag:s7] =	dma.local @!p0 [hbm:s9], $0x100  }
.Ltmp2:
0x1f: {  	_ =	swait.ge @!p0 [sflag:s19], $0x100;
	(pc) =	sbr.rel @p1 .LBB2_5-.Ltmp2, $4  }
0x20: {  	[sflag:s19] =	ssyncset.done @!p0 $0x0  }
0x21: {  	[sflag:s19] =	ssyncadd.s32 @!p0 $0xFFFFFF00  }
0x22: {  	s31 =	sadd.s32 $0x0, s4;
	[bflag:$0x0] =	sbarrier.arrive $0xFFFF  }
0x23: {  	p3 =	sgt.u32 s31, $0x9C3  }
0x24: {  	s19 =	simm.s32 @!p3 $0x0;
	s21 =	simm.s32 @!p3 $0x2  }
0x25: {  	[tilespmem:s19], [sflag:$0x2] =	stream.linear.gather @!p3 [hbm4b:s15+s19], $0x80, $0x38;
	[tilespmem:$0x17900] =	vst v63  }
0x26: {  	_ =	swait.ge @!p3 [sflag:s21], $0x80  }
0x27: {  	[sflag:s21] =	ssyncset.done @!p3 $0x0;
	p3 =	por p3, p3  }
0x28: {  	[sflag:s21] =	ssyncadd.s32 @!p3 $0xFFFFFF80;
	s23 =	simm.s32 @!p3 $0x80  }
0x29: {  	[tilespmem:s23], [sflag:$0x2] =	stream.linear.gather @!p3 [hbm4b:s14+s19], $0x4000, $0x38;
	[tilespmem:$0x17900] =	vst v63  }
0x2a: {  	_ =	swait.ge @!p3 [sflag:s21], $0x4000  }
0x2b: {  	[sflag:s21] =	ssyncset.done @!p3 $0x0  }
0x2c: {  	s31 =	sadd.s32 $0x10, s4;
	s22 =	simm.s32 @!p3 $0x1;
	[sflag:s21] =	ssyncadd.s32 @!p3 $0xFFFFC000  }
0x2d: {  	[spmem:s2] =	stream.indirect.scatter.add.f32 @!p3 [tilespmem:s23], [sflag:$0x1], $0x80, s19, s23, $0xb8;
	[tilespmem:$0x17900] =	vst v63  }
0x2e: {  	s20 =	simm.s32 $0x20;
	p4 =	sgt.u32 s31, $0x9C3;
	_ =	swait.ge @!p3 [sflag:s22], $0x4000  }
0x2f: {  	s21 =	sadd.s32 $0x100, s15;
	s19 =	sadd.s32 $0x8000, s14;
	[sflag:s22] =	ssyncset.done @!p3 $0x0  }
.LBB2_3:
0x30: {  	s23 =	simm.s32 @!p4 $0x0;
	s24 =	simm.s32 @!p4 $0x2;
	[sflag:s22] =	ssyncadd.s32 @!p3 $0xFFFFC000  }
0x31: {  	[tilespmem:s23], [sflag:$0x2] =	stream.linear.gather @!p4 [hbm4b:s21+s23], $0x80, $0x38;
	[tilespmem:$0x17900] =	vst v63  }
0x32: {  	s25 =	smov.u32 s20;
	s20 =	sadd.s32 $0x10, s20;
	_ =	swait.ge @!p4 [sflag:s24], $0x80  }
0x33: {  	p3 =	por p4, p4;
	p5 =	sne.s32 s20, $0x9D0;
	[sflag:s24] =	ssyncset.done @!p4 $0x0  }
0x34: {  	s26 =	simm.s32 @!p3 $0x80;
	[sflag:s24] =	ssyncadd.s32 @!p3 $0xFFFFFF80  }
0x35: {  	[tilespmem:s26], [sflag:$0x2] =	stream.linear.gather @!p3 [hbm4b:s19+s23], $0x4000, $0x38;
	[tilespmem:$0x17900] =	vst v63  }
0x36: {  	_ =	swait.ge @!p3 [sflag:s24], $0x4000  }
.Ltmp3:
0x37: {  	[sflag:s24] =	ssyncset.done @!p3 $0x0;
	(pc) =	sbr.rel @p5 .LBB2_3-.Ltmp3, $4  }
0x38: {  	s22 =	simm.s32 @!p3 $0x1;
	[sflag:s24] =	ssyncadd.s32 @!p3 $0xFFFFC000  }
0x39: {  	[spmem:s2] =	stream.indirect.scatter.add.f32 @!p3 [tilespmem:s26], [sflag:$0x1], $0x80, s23, s26, $0xb8;
	[tilespmem:$0x17900] =	vst v63  }
0x3a: {  	s19 =	sadd.s32 $0x8000, s19;
	s23 =	sadd.s32 s25, s4;
	_ =	swait.ge @!p3 [sflag:s22], $0x4000  }
0x3b: {  	s21 =	sadd.s32 $0x100, s21;
	p4 =	sgt.u32 s23, $0x9C3;
	[sflag:s22] =	ssyncset.done @!p3 $0x0  }
0x3c: {  	s20 =	simm.s32 @!p4 $0x0;
	s23 =	simm.s32 @!p4 $0x2;
	[sflag:s22] =	ssyncadd.s32 @!p3 $0xFFFFC000  }
0x3d: {  	[tilespmem:s20], [sflag:$0x2] =	stream.linear.gather @!p4 [hbm4b:s21+s20], $0x80, $0x38;
	[tilespmem:$0x17900] =	vst v63  }
0x3e: {  	_ =	swait.ge @!p4 [sflag:s23], $0x80  }
0x3f: {  	p3 =	por p4, p4;
	[sflag:s23] =	ssyncset.done @!p4 $0x0  }
0x40: {  	s21 =	simm.s32 @!p3 $0x80;
	[sflag:s23] =	ssyncadd.s32 @!p3 $0xFFFFFF80  }
0x41: {  	[tilespmem:s21], [sflag:$0x2] =	stream.linear.gather @!p3 [hbm4b:s19+s20], $0x4000, $0x38;
	[tilespmem:$0x17900] =	vst v63  }
0x42: {  	_ =	swait.ge @!p3 [sflag:s23], $0x4000  }
0x43: {  	[sflag:s23] =	ssyncset.done @!p3 $0x0  }
0x44: {  	s19 =	simm.s32 @!p3 $0x1;
	[sflag:s23] =	ssyncadd.s32 @!p3 $0xFFFFC000  }
0x45: {  	[spmem:s2] =	stream.indirect.scatter.add.f32 @!p3 [tilespmem:s21], [sflag:$0x1], $0x80, s20, s21, $0xb8;
	[tilespmem:$0x17900] =	vst v63  }
0x46: {  	_ =	swait.ge @!p3 [sflag:s19], $0x4000  }
0x47: {  	[sflag:s19] =	ssyncset.done @!p3 $0x0  }
0x48: {  	[sflag:s19] =	ssyncadd.s32 @!p3 $0xFFFFC000  }
0x49: {  	[bflag:$0x0] =	sbarrier.arrive $0xFFFF  }
0x4a: {  	[hbm:s11], [sflag:s7] =	dma.local [spmem:s16], $0x2700  }
.Ltmp4:
0x4b: {  	_ = 	snop;
	(pc) =	sbr.rel @!p2 .LBB2_9-.Ltmp4, $4  }
.Ltmp5:
0x4c: {  	_ = 	snop;
	(pc) =	sbr.rel @p2 .LBB2_8-.Ltmp5, $4  }
0x4d: {  	_ =	swait.ge [sflag:s17], $0x2700  }
0x4e: {  	[sflag:s17] =	ssyncset.done $0x0  }
0x4f: {  	s19 =	smov.u32 s1;
	[sflag:s17] =	ssyncadd.s32 $0xFFFFD900  }
0x50: {  	_ = 	snop  }
.LBB2_5:
0x51: {  	s19 =	simm.s32 @!p3 $0x0;
	s21 =	simm.s32 @!p3 $0x2  }
0x52: {  	[tilespmem:s19], [sflag:$0x2] =	stream.linear.gather @!p3 [hbm4b:s13+s19], $0x80, $0x38;
	[tilespmem:$0x17900] =	vst v63  }
0x53: {  	_ =	swait.ge @!p3 [sflag:s21], $0x80  }
0x54: {  	[sflag:s21] =	ssyncset.done @!p3 $0x0;
	p3 =	por p3, p3  }
0x55: {  	[sflag:s21] =	ssyncadd.s32 @!p3 $0xFFFFFF80;
	s23 =	simm.s32 @!p3 $0x80  }
0x56: {  	[tilespmem:s23], [sflag:$0x2] =	stream.linear.gather @!p3 [hbm4b:s14+s19], $0x4000, $0x38;
	[tilespmem:$0x17900] =	vst v63  }
0x57: {  	_ =	swait.ge @!p3 [sflag:s21], $0x4000  }
0x58: {  	[sflag:s21] =	ssyncset.done @!p3 $0x0  }
0x59: {  	s31 =	sadd.s32 $0x10, s4;
	s22 =	simm.s32 @!p3 $0x1;
	[sflag:s21] =	ssyncadd.s32 @!p3 $0xFFFFC000  }
0x5a: {  	[spmem:s2] =	stream.indirect.scatter.add.f32 @!p3 [tilespmem:s23], [sflag:$0x1], $0x80, s19, s23, $0xb8;
	[tilespmem:$0x17900] =	vst v63  }
0x5b: {  	s20 =	simm.s32 $0x20;
	p4 =	sgt.u32 s31, $0x9C3;
	_ =	swait.ge @!p3 [sflag:s22], $0x4000  }
0x5c: {  	s21 =	sadd.s32 $0x100, s13;
	s19 =	sadd.s32 $0x8000, s14;
	[sflag:s22] =	ssyncset.done @!p3 $0x0  }
.LBB2_6:
0x5d: {  	s23 =	simm.s32 @!p4 $0x0;
	s24 =	simm.s32 @!p4 $0x2;
	[sflag:s22] =	ssyncadd.s32 @!p3 $0xFFFFC000  }
0x5e: {  	[tilespmem:s23], [sflag:$0x2] =	stream.linear.gather @!p4 [hbm4b:s21+s23], $0x80, $0x38;
	[tilespmem:$0x17900] =	vst v63  }
0x5f: {  	s25 =	smov.u32 s20;
	s20 =	sadd.s32 $0x10, s20;
	_ =	swait.ge @!p4 [sflag:s24], $0x80  }
0x60: {  	p3 =	por p4, p4;
	p5 =	sne.s32 s20, $0x9D0;
	[sflag:s24] =	ssyncset.done @!p4 $0x0  }
0x61: {  	s26 =	simm.s32 @!p3 $0x80;
	[sflag:s24] =	ssyncadd.s32 @!p3 $0xFFFFFF80  }
0x62: {  	[tilespmem:s26], [sflag:$0x2] =	stream.linear.gather @!p3 [hbm4b:s19+s23], $0x4000, $0x38;
	[tilespmem:$0x17900] =	vst v63  }
0x63: {  	_ =	swait.ge @!p3 [sflag:s24], $0x4000  }
.Ltmp6:
0x64: {  	[sflag:s24] =	ssyncset.done @!p3 $0x0;
	(pc) =	sbr.rel @p5 .LBB2_6-.Ltmp6, $4  }
0x65: {  	s22 =	simm.s32 @!p3 $0x1;
	[sflag:s24] =	ssyncadd.s32 @!p3 $0xFFFFC000  }
0x66: {  	[spmem:s2] =	stream.indirect.scatter.add.f32 @!p3 [tilespmem:s26], [sflag:$0x1], $0x80, s23, s26, $0xb8;
	[tilespmem:$0x17900] =	vst v63  }
0x67: {  	s19 =	sadd.s32 $0x8000, s19;
	s23 =	sadd.s32 s25, s4;
	_ =	swait.ge @!p3 [sflag:s22], $0x4000  }
0x68: {  	s21 =	sadd.s32 $0x100, s21;
	p4 =	sgt.u32 s23, $0x9C3;
	[sflag:s22] =	ssyncset.done @!p3 $0x0  }
0x69: {  	s20 =	simm.s32 @!p4 $0x0;
	s23 =	simm.s32 @!p4 $0x2;
	[sflag:s22] =	ssyncadd.s32 @!p3 $0xFFFFC000  }
0x6a: {  	[tilespmem:s20], [sflag:$0x2] =	stream.linear.gather @!p4 [hbm4b:s21+s20], $0x80, $0x38;
	[tilespmem:$0x17900] =	vst v63  }
0x6b: {  	_ =	swait.ge @!p4 [sflag:s23], $0x80  }
0x6c: {  	p3 =	por p4, p4;
	[sflag:s23] =	ssyncset.done @!p4 $0x0  }
0x6d: {  	s21 =	simm.s32 @!p3 $0x80;
	[sflag:s23] =	ssyncadd.s32 @!p3 $0xFFFFFF80  }
0x6e: {  	[tilespmem:s21], [sflag:$0x2] =	stream.linear.gather @!p3 [hbm4b:s19+s20], $0x4000, $0x38;
	[tilespmem:$0x17900] =	vst v63  }
0x6f: {  	_ =	swait.ge @!p3 [sflag:s23], $0x4000  }
0x70: {  	[sflag:s23] =	ssyncset.done @!p3 $0x0  }
0x71: {  	s19 =	simm.s32 @!p3 $0x1;
	[sflag:s23] =	ssyncadd.s32 @!p3 $0xFFFFC000  }
0x72: {  	[spmem:s2] =	stream.indirect.scatter.add.f32 @!p3 [tilespmem:s21], [sflag:$0x1], $0x80, s20, s21, $0xb8;
	[tilespmem:$0x17900] =	vst v63  }
0x73: {  	_ =	swait.ge @!p3 [sflag:s19], $0x4000  }
0x74: {  	[sflag:s19] =	ssyncset.done @!p3 $0x0  }
0x75: {  	[sflag:s19] =	ssyncadd.s32 @!p3 $0xFFFFC000  }
0x76: {  	[bflag:$0x0] =	sbarrier.arrive $0xFFFF  }
0x77: {  	[hbm:s10], [sflag:s7] =	dma.local [spmem:s16], $0x2700  }
.Ltmp7:
0x78: {  	_ = 	snop;
	(pc) =	sbr.rel @p0 .LBB2_9-.Ltmp7, $4  }
.Ltmp8:
0x79: {  	_ = 	snop;
	(pc) =	sbr.rel @!p0 .LBB2_8-.Ltmp8, $4  }
0x7a: {  	_ =	swait.ge [sflag:s17], $0x2700  }
0x7b: {  	[sflag:s17] =	ssyncset.done $0x0  }
0x7c: {  	s19 =	smov.u32 s5;
	[sflag:s17] =	ssyncadd.s32 $0xFFFFD900  }
0x7d: {  	_ = 	snop  }
.LBB2_10:
0x7e: {  	_ =	sfence.sel $0x180000  }
0x7f: {  	[bflag:$0x0] =	sbarrier.arrive $0xFFFF  }
0x80: {  	_ =	strace $0x9000004A  }
0x81: {  	s0 =	sadd.s32 @!p0 $0x100000, s0;
	[bflag:$0x2] =	sbarrier.arrive $0xFFFF  }
0x82: {  	[sflag:s0] =	ssyncadd.tile.s32 @!p0 $0x1;
	_ =	shalt  }
.Lfunc_end2:
_tile_overlayer_lowered:
.L_overlay_start_2:
0x83: {  	(tag) =	ssettag $0x2  }
0x84: {  	s0 =	rddreg [dreg:$0x0];
	s2 =	stileid.u32  }
0x85: {  	s1 =	rddreg [dreg:$0x1];
	p0 =	sne.s32 s2, $0x0  }
0x86: {  	s3 =	rddreg [dreg:$0x2];
	[bflag:$0x3] =	sbarrier.arrive $0xFFFF;
	s2 =	simm.s32 @!p0 $0x1C01  }
0x87: {  	[timem:s3], [sflag:s2] =	dma.local @!p0 [hbm:s0], s1  }
0x88: {  	s0 =	simm.s32 @!p0 $0x1  }
0x89: {  	_ =	swait.ge @!p0 [sflag:s0], s1  }
0x8a: {  	s1 =	ssub.s32 @!p0 $0x0, s1;
	[sflag:s0] =	ssyncset.done @!p0 $0x0  }
0x8b: {  	[sflag:s0] =	ssyncadd.s32 @!p0 s1  }
0x8c: {  	[bflag:$0x3] =	sbarrier.arrive $0xFFFF  }
0x8d: {  	_ =	shalt  }

// kernel: kernel.17.cloned.1.call-start
scs
__scs_entry_jumppad:
0x0: {  	(pc) =	sbr.rel $0x88, $3  }
0x1: {  	(tag) =	ssettag $0x0;
	lr =	simm.s32 $0x1  }
0x2: {  	[smem:$0x3F97] =	sst lr;
	_ =	strace $0xD0000000  }
0x3: {  	_ = 	snop  }
0x4: {  	_ = 	snop  }
0x5: {  	_ = 	snop  }
0x6: {  	_ = 	snop  }
0x7: {  	_ = 	snop  }
__scs_overlays_trampoline_lowered:
0x8: {  	[smem:$0x3FA6] =	sst s0  }
0x9: {  	[smem:$0x3FA7] =	sst s1  }
0xa: {  	[smem:$0x3FA8] =	sst s2  }
0xb: {  	[smem:$0x3FA9] =	sst s3  }
0xc: {  	[smem:$0x3FAA] =	sst s4  }
0xd: {  	[smem:$0x3FAB] =	sst s5  }
0xe: {  	[smem:$0x3FAC] =	sst s6  }
0xf: {  	[smem:$0x3FAD] =	sst s7  }
0x10: {  	[smem:$0x3FAE] =	sst s8  }
0x11: {  	[smem:$0x3FAF] =	sst s9;
	s0 =	simm.s32 @!p0 $0x0  }
0x12: {  	s1 =	sld [smem:$0x3F95];
	s0 =	simm.s32 @p0 $0x1  }
0x13: {  	[smem:$0x3FB0] =	sst s0;
	s0 =	simm.s32 @!p1 $0x0  }
0x14: {  	s2 =	sld [smem:$0x3F94];
	s0 =	simm.s32 @p1 $0x1  }
0x15: {  	[smem:$0x3FB1] =	sst s0;
	s0 =	simm.s32 @!p2 $0x0  }
0x16: {  	s3 =	sld [smem:$0x3FDB];
	s0 =	simm.s32 @p2 $0x1  }
0x17: {  	s4 =	simm.s32 $0x1BF5;
	[smem:$0x3FB3] =	sst s0  }
0x18: {  	s0 =	sld [smem:$0x3F96];
	_ =	swait.ge [sflag:s4], $0x0  }
0x19: {  	s7 =	sld [smem:$0x3F97]  }
0x1a: {  	s8 =	sadd.s32 $0xFFFFE003, lr  }
0x1b: {  	s9 =	sadd.s32 $0xFFFFFEF7, lr;
	s5 =	simm.s32 $0xFFFFFFFF;
	p2 =	slt.u32 s8, $0xFFFFF086  }
0x1c: {  	p1 =	slt.u32 s9, $0xF7A;
	s5 =	simm.s32 @!p2 $0x0  }
0x1d: {  	s5 =	simm.s32 @p1 $0x1;
	p0 =	seq.s32 s7, s2  }
0x1e: {  	s7 =	smul.u32 @!p0 $0xF7A, s2;
	p2 =	seq.s32 @!p0 s5, $0x0  }
0x1f: {  	s9 =	smul.u32 $0xF7A, s1;
	s8 =	simm.s32 @!p0 $0x1BF5;
	p2 =	por !p2, p0  }
0x20: {  	[sflag:s8] =	ssyncset.s32 @!p0 $0xFFFFF086;
	s6 =	sadd.s32 @!p0 s3, s7;
	s7 =	simm.s32 @!p0 $0x108  }
0x21: {  	s3 =	sadd.s32 s3, s9;
	s6 =	sadd.s32 @!p0 $0x88, s6;
	s7 =	simm.s32 @p2 $0x1082  }
0x22: {  	[simem:s7], [sflag:s8] =	dma.local @!p0 [hbm:s6], $0xF7A  }
0x23: {  	s9 =	sor.u32 $0xD0000000, s2;
	s6 =	simm.s32 $0x108;
	_ =	swait.ge @!p0 [sflag:s8], $0x0  }
0x24: {  	s3 =	sadd.s32 $0x88, s3;
	s6 =	simm.s32 @!p1 $0x1082;
	[sflag:s4] =	ssyncset.s32 $0xFFFFF086  }
0x25: {  	[simem:s6], [sflag:s4] =	dma.local [hbm:s3], $0xF7A  }
0x26: {  	[smem:$0x3F97] =	sst s1;
	(tag) =	ssettag s2;
	_ =	strace s9  }
0x27: {  	s1 =	sld [smem:$0x3FA7]  }
0x28: {  	s2 =	sld [smem:$0x3FA8]  }
0x29: {  	s4 =	sld [smem:$0x3FAA]  }
0x2a: {  	p0 =	seq.s32 s5, $0x0;
	s5 =	sld [smem:$0x3FAB]  }
0x2b: {  	s6 =	sld [smem:$0x3FAC]  }
0x2c: {  	s7 =	sld [smem:$0x3FAD]  }
0x2d: {  	s3 =	simm.s32 $0x108;
	s8 =	sld [smem:$0x3FAE]  }
0x2e: {  	s3 =	simm.s32 @!p0 $0x1082;
	s9 =	sld [smem:$0x3FAF]  }
0x2f: {  	lr =	sadd.s32 s0, s3;
	s0 =	sld [smem:$0x3FA6]  }
0x30: {  	s3 =	sld [smem:$0x3FA9]  }
0x31: {  	[smem:$0x3FB2] =	sst s10  }
0x32: {  	s10 =	sld [smem:$0x3FB0];
	_ =	sdelay $0x3  }
0x33: {  	p0 =	seq.s32 s10, $0x1;
	s10 =	sld [smem:$0x3FB2];
	_ =	sdelay $0x3  }
0x34: {  	[smem:$0x3FB2] =	sst s10  }
0x35: {  	s10 =	sld [smem:$0x3FB1];
	_ =	sdelay $0x3  }
0x36: {  	p1 =	seq.s32 s10, $0x1;
	s10 =	sld [smem:$0x3FB2];
	_ =	sdelay $0x3  }
0x37: {  	[smem:$0x3FB2] =	sst s10  }
0x38: {  	s10 =	sld [smem:$0x3FB3]  }
0x39: {  	_ = 	snop;
	(pc) =	sbr.ind lr, $3  }
0x3a: {  	_ = 	snop  }
0x3b: {  	_ = 	snop  }
0x3c: {  	p2 =	seq.s32 s10, $0x1;
	s10 =	sld [smem:$0x3FB2]  }
0x3d: {  	_ =	shalt  }
0x3e: {  	_ =	shalt  }
0x3f: {  	_ =	shalt  }
0x40: {  	_ =	shalt  }
0x41: {  	_ =	shalt  }
0x42: {  	_ =	shalt  }
0x43: {  	_ =	shalt  }
0x44: {  	_ =	shalt  }
0x45: {  	_ =	shalt  }
0x46: {  	_ =	shalt  }
0x47: {  	_ =	shalt  }
0x48: {  	_ =	shalt  }
0x49: {  	_ =	shalt  }
0x4a: {  	_ =	shalt  }
0x4b: {  	_ =	shalt  }
0x4c: {  	_ =	shalt  }
0x4d: {  	_ =	shalt  }
0x4e: {  	_ =	shalt  }
0x4f: {  	_ =	shalt  }
0x50: {  	_ =	shalt  }
0x51: {  	_ =	shalt  }
0x52: {  	_ =	shalt  }
0x53: {  	_ =	shalt  }
0x54: {  	_ =	shalt  }
0x55: {  	_ =	shalt  }
0x56: {  	_ =	shalt  }
0x57: {  	_ =	shalt  }
0x58: {  	_ =	shalt  }
0x59: {  	_ =	shalt  }
0x5a: {  	_ =	shalt  }
0x5b: {  	_ =	shalt  }
0x5c: {  	_ =	shalt  }
0x5d: {  	_ =	shalt  }
0x5e: {  	_ =	shalt  }
0x5f: {  	_ =	shalt  }
0x60: {  	_ =	shalt  }
0x61: {  	_ =	shalt  }
0x62: {  	_ =	shalt  }
0x63: {  	_ =	shalt  }
0x64: {  	_ =	shalt  }
0x65: {  	_ =	shalt  }
0x66: {  	_ =	shalt  }
0x67: {  	_ =	shalt  }
0x68: {  	_ =	shalt  }
0x69: {  	_ =	shalt  }
0x6a: {  	_ =	shalt  }
0x6b: {  	_ =	shalt  }
0x6c: {  	_ =	shalt  }
0x6d: {  	_ =	shalt  }
0x6e: {  	_ =	shalt  }
0x6f: {  	_ =	shalt  }
0x70: {  	_ =	shalt  }
0x71: {  	_ =	shalt  }
0x72: {  	_ =	shalt  }
0x73: {  	_ =	shalt  }
0x74: {  	_ =	shalt  }
0x75: {  	_ =	shalt  }
0x76: {  	_ =	shalt  }
0x77: {  	_ =	shalt  }
0x78: {  	_ =	shalt  }
0x79: {  	_ =	shalt  }
0x7a: {  	_ =	shalt  }
0x7b: {  	_ =	shalt  }
0x7c: {  	_ =	shalt  }
0x7d: {  	_ =	shalt  }
0x7e: {  	_ =	shalt  }
0x7f: {  	_ =	shalt  }
0x80: {  	_ =	shalt  }
0x81: {  	_ =	shalt  }
0x82: {  	_ =	shalt  }
0x83: {  	_ =	shalt  }
0x84: {  	_ =	shalt  }
0x85: {  	_ =	shalt  }
0x86: {  	_ =	shalt  }
0x87: {  	_ =	shalt  }
.Lfunc_end0:
.L_simem_size_0:
called_computation.2_lowered:
.L_overlay_start_0:
0x88: {  	s2 =	sld [smem:$0x3FD9]  }
0x89: {  	s3 =	sld [smem:$0x3FFE];
	_ =	sdelay $0x1  }
0x8a: {  	s1 =	srdreg.scid  }
0x8b: {  	s0 =	sand.u32 $0x1, s1  }
0x8c: {  	s14 =	sshll.u32 s0, $0xA;
	s2 =	sadd.s32 s3, s2  }
0x8d: {  	s2 =	sadd.s32 s2, s14  }
0x8e: {  	[smem:$0x3FBE] =	sst s2  }
0x8f: {  	_ = 	snop  }
0x90: {  	s2 =	sld [smem:$0x3FD0];
	_ =	sdelay $0x2  }
0x91: {  	s15 =	simm.s32 $0xA;
	s4 =	simm.s32 $0x10  }
0x92: {  	[smem:s4], [sflag:s15] =	dma.local [hbm:s2], $0x1  }
0x93: {  	_ =	swait.eq [sflag:s15], $0x1  }
0x94: {  	[sflag:s15] =	ssyncset.done $0x0  }
0x95: {  	[sflag:s15] =	ssyncadd.s32 $0xFFFFFFFF  }
0x96: {  	s16 =	sld [smem:$0x11];
	(tm) =	ssettm $0x1  }
0x97: {  	s17 =	sld [smem:$0x3FFB];
	_ =	sdelay $0x3  }
0x98: {  	_ =	strace s17  }
0x99: {  	s3 =	sld [smem:$0x3FFC];
	_ =	sdelay $0x3  }
0x9a: {  	_ =	strace s3  }
0x9b: {  	s3 =	sld [smem:$0x3FFD];
	_ =	sdelay $0x3  }
0x9c: {  	_ =	strace s3  }
0x9d: {  	_ =	strace $0x8FFFFFFF  }
0x9e: {  	s18 =	sld [smem:$0x3FDB];
	_ =	sdelay $0x1  }
0x9f: {  	s19 =	simm.s32 $_scs_section_size  }
0xa0: {  	s5 =	simm.s32 $_size__tile_overlayer_lowered;
	s6 =	simm.s32 $_tile_overlayer_lowered  }
0xa1: {  	s22 =	simm.s32 $0x1BFF;
	s21 =	sshll.u32 s6, $0x1;
	s3 =	sadd.s32 s19, s18  }
0xa2: {  	s7 =	simm.s32 $0x0;
	s20 =	sshll.u32 s5, $0x1;
	s5 =	sadd.s32 s21, s3  }
0xa3: {  	[timem:s7], [sflag:s22] =	dma.local [hbm:s5], s20  }
0xa4: {  	_ =	swait.ge [sflag:s22], s20  }
0xa5: {  	s4 =	ssub.s32 $0x0, s20;
	[sflag:s22] =	ssyncset.done $0x0  }
0xa6: {  	[sflag:s22] =	ssyncadd.s32 s4;
	_ =	sdelay $0x1  }
0xa7: {  	s23 =	simm.s32 $0x1B8B  }
0xa8: {  	_ =	swait.ge [sflag:s23], $0x1  }
0xa9: {  	[sflag:s23] =	ssyncset.done $0x0  }
0xaa: {  	s25 =	simm.s32 $0x1B8E;
	s24 =	sld [smem:$0x3FFE];
	[sflag:s23] =	ssyncadd.s32 $0xFFFFFFFF  }
0xab: {  	s26 =	simm.s32 $execute0_lowered;
	[smem:$0x3FD2] =	sst s25  }
0xac: {  	s5 =	sshll.u32 s26, $0x1;
	_ =	strace $0x8000004C;
	[dreg:$0x1] =	wrdreg $0xFFFFFFFF  }
0xad: {  	s28 =	simm.s32 $_size_execute0_lowered;
	s3 =	sadd.s32 s3, s5;
	[dreg:$0x0] =	wrdreg $0x0  }
0xae: {  	s5 =	sshll.u32 s28, $0x1;
	[dreg:$0x2] =	wrdreg s3  }
0xaf: {  	[dreg:$0x3] =	wrdreg s5  }
0xb0: {  	[dreg:$0x4] =	wrdreg $0xC0  }
0xb1: {  	_ =	task [dreg:s7], $0x5FFFF  }
0xb2: {  	[dreg:$0x1] =	wrdreg $0xFFFFFFFF  }
0xb3: {  	[dreg:$0x0] =	wrdreg $0x60  }
0xb4: {  	[dreg:$0x2] =	wrdreg s16  }
0xb5: {  	[dreg:$0x3] =	wrdreg s24  }
0xb6: {  	[dreg:$0x4] =	wrdreg $0x9  }
0xb7: {  	_ =	task.clear_ibuf [dreg:s7], $0x5FFFF;
	_ =	strace $0x9000004C  }
0xb8: {  	s29 =	simm.s32 $0x9;
	_ =	strace $0x8000004E  }
0xb9: {  	_ =	swait.ge [sflag:s29], $0x1  }
0xba: {  	[sflag:s29] =	ssyncadd.s32 $0xFFFFFFFF  }
0xbb: {  	_ =	strace $0x9000004E  }
0xbc: {  	_ =	sfence  }
0xbd: {  	s30 =	sld [smem:$0x0];
	_ =	sdelay $0x2  }
0xbe: {  	s31 =	sshll.u32 s1, $0xD;
	s1 =	sshrl.u32 s1, $0x2  }
0xbf: {  	s3 =	sand.u32 $0x4000, s31;
	s1 =	sadd.s32 s1, s30  }
0xc0: {  	s0 =	sor.u32 s3, s0;
	s1 =	sshll.u32 s1, $0x11  }
0xc1: {  	s0 =	sor.u32 s1, s0  }
0xc2: {  	s0 =	sadd.s32 $0x8F2B, s0  }
0xc3: {  	[sflag:s0] =	ssyncadd.remote.s32 $0x1  }
0xc4: {  	_ =	sfence.sel $0xFFFF  }
0xc5: {  	[dreg:$0x0] =	wrdreg $0xFFFFFFFF;
	(pc) =	sbr.abs _section_cstart, $3  }
0xc6: {  	[dreg:$0x1] =	wrdreg $0xFFFFFFFF  }
0xc7: {  	_ =	task.clear_ibuf [dreg:s7], $0x2FFFF;
	_ =	strace $0x9FFFFFFF  }
0xc8: {  	(tm) =	ssettm $0x7FFFFFFF  }
0xc9: {  	_ =	shalt  }
tec
execute0_lowered:
.L_overlay_start_1:
0x0: {  	(tag) =	ssettag $0x1  }
0x1: {  	s1 =	rddreg [dreg:$0x0]  }
0x2: {  	s5 =	rddreg [dreg:$0x1]  }
0x3: {  	s0 =	rddreg [dreg:$0x2]  }
0x4: {  	s3 =	simm.s32 $0x0;
	s4 =	srdreg.scid;
	s2 =	stileid.u32  }
0x5: {  	[smem:$0x7FF] =	sst s3;
	s6 =	sand.u32 $0x1, s4;
	s4 =	sadd.s32 $0xEE9A00, s5  }
0x6: {  	s7 =	sshll.u32 s2, $0x5;
	s9 =	sshll.u32 s2, $0xC;
	_ =	strace $0x8000004D  }
0x7: {  	s8 =	ssub.s32 $0x2, s6;
	s7 =	sadd.s32 s7, s5;
	s9 =	sadd.s32 s9, s5  }
0x8: {  	s31 =	sshll.u32 s6, $0x4;
	s11 =	sshll.u32 s6, $0xB;
	s10 =	sshrl.u32 s8, $0x1  }
0x9: {  	s5 =	sshll.u32 s2, $0x1;
	s11 =	sadd.s32 s11, s9;
	s8 =	ssub.s32 s8, s10  }
0xa: {  	s10 =	sadd.s32 s31, s7;
	s9 =	sadd.s32 $0x525200, s11;
	s6 =	smax.u32 s8, $0x1  }
0xb: {  	s7 =	sadd.s32 $0x8400, s10;
	s8 =	sadd.s32 $0x12200, s10;
	s10 =	sadd.s32 $0x43200, s11  }
.LBB2_1:
0xc: {  	p0 =	sgt.u32 s5, $0x9C3  }
0xd: {  	s11 =	sadd.s32 @!p0 $0x0, s8;
	s12 =	simm.s32 @!p0 $0x0;
	s15 =	simm.s32 @!p0 $0x4  }
0xe: {  	[tilespmem:s12], [sflag:$0x4] =	stream.linear.gather @!p0 [hbm4b:s11+s12], $0x80, $0x38;
	[tilespmem:$0x8100] =	vst v63  }
0xf: {  	_ =	swait.ge @!p0 [sflag:s15], $0x80;
	p0 =	por p0, p0  }
0x10: {  	[sflag:s15] =	ssyncset.done @!p0 $0x0  }
0x11: {  	s11 =	sadd.s32 @!p0 $0x0, s7;
	s13 =	simm.s32 @!p0 $0x80;
	[sflag:s15] =	ssyncadd.s32 @!p0 $0xFFFFFF80  }
0x12: {  	[tilespmem:s13], [sflag:$0x4] =	stream.linear.gather @!p0 [hbm4b:s11+s12], $0x80, $0x38;
	[tilespmem:$0x8100] =	vst v63  }
0x13: {  	_ =	swait.ge @!p0 [sflag:s15], $0x80  }
0x14: {  	[sflag:s15] =	ssyncset.done @!p0 $0x0  }
0x15: {  	s11 =	simm.s32 @!p0 $0x100;
	[sflag:s15] =	ssyncadd.s32 @!p0 $0xFFFFFF80  }
0x16: {  	[tilespmem:s11], [sflag:$0x1] =	stream.indirect.gather @!p0 [hbm4b:s1+s13], $0x80, s12, s13, $0xb8;
	[tilespmem:$0x8100] =	vst v63  }
0x17: {  	s16 =	simm.s32 @!p0 $0x4100;
	s14 =	simm.s32 @!p0 $0x1  }
0x18: {  	[tilespmem:s16], [sflag:$0x2] =	stream.indirect.gather @!p0 [hbm4b:s4+s13], $0x80, s13, s13, $0xb8;
	[tilespmem:$0x8100] =	vst v63  }
0x19: {  	_ =	swait.ge @!p0 [sflag:s14], $0x4000  }
0x1a: {  	[sflag:s14] =	ssyncset.done @!p0 $0x0  }
0x1b: {  	s13 =	simm.s32 @!p0 $0x2;
	[sflag:s14] =	ssyncadd.s32 @!p0 $0xFFFFC000  }
0x1c: {  	_ =	swait.ge @!p0 [sflag:s13], $0x4000  }
0x1d: {  	[sflag:s13] =	ssyncset.done @!p0 $0x0  }
0x1e: {  	[sflag:s13] =	ssyncadd.s32 @!p0 $0xFFFFC000  }
0x1f: {  	[hbm4b:s10+s12] =	stream.linear.scatter @!p0 [tilespmem:s11], [sflag:$0x4], $0x4000, $0x38;
	[tilespmem:$0x8100] =	vst v63  }
0x20: {  	_ =	swait.ge @!p0 [sflag:s15], $0x4000  }
0x21: {  	[sflag:s15] =	ssyncset.done @!p0 $0x0  }
0x22: {  	s14 =	simm.s32 $0x400;
	s13 =	simm.s32 $0x200;
	[sflag:s15] =	ssyncadd.s32 @!p0 $0xFFFFC000  }
0x23: {  	[hbm4b:s9+s12] =	stream.linear.scatter @!p0 [tilespmem:s16], [sflag:$0x3], $0x4000, $0x38;
	[tilespmem:$0x8100] =	vst v63  }
0x24: {  	s11 =	sadd.s32 $0x10000, s10;
	s15 =	sadd.s32 $0x20, s5;
	s16 =	simm.s32 @!p0 $0x3  }
0x25: {  	p2 =	sgt.u32 s15, $0x9C3;
	s12 =	sadd.s32 $0x10000, s9;
	_ =	swait.ge @!p0 [sflag:s16], $0x4000  }
.LBB2_2:
0x26: {  	s17 =	sadd.s32 @!p2 s13, s8  }
0x27: {  	s18 =	simm.s32 @!p2 $0x0;
	[sflag:s16] =	ssyncset.done @!p0 $0x0;
	s19 =	smov.u32 s14  }
0x28: {  	s14 =	sadd.s32 $0x200, s14;
	s20 =	simm.s32 @!p2 $0x4;
	[sflag:s16] =	ssyncadd.s32 @!p0 $0xFFFFC000  }
0x29: {  	[tilespmem:s18], [sflag:$0x4] =	stream.linear.gather @!p2 [hbm4b:s17+s18], $0x80, $0x38;
	[tilespmem:$0x8100] =	vst v63  }
0x2a: {  	p1 =	sne.s32 s14, $0x9E00;
	p0 =	por p2, p2;
	_ =	swait.ge @!p2 [sflag:s20], $0x80  }
0x2b: {  	[sflag:s20] =	ssyncset.done @!p0 $0x0  }
0x2c: {  	s13 =	sadd.s32 @!p0 s13, s7;
	s16 =	simm.s32 @!p0 $0x80;
	[sflag:s20] =	ssyncadd.s32 @!p0 $0xFFFFFF80  }
0x2d: {  	[tilespmem:s16], [sflag:$0x4] =	stream.linear.gather @!p0 [hbm4b:s13+s18], $0x80, $0x38;
	[tilespmem:$0x8100] =	vst v63  }
0x2e: {  	s13 =	smov.u32 s19;
	_ =	swait.ge @!p0 [sflag:s20], $0x80  }
0x2f: {  	[sflag:s20] =	ssyncset.done @!p0 $0x0  }
0x30: {  	s17 =	simm.s32 @!p0 $0x100;
	[sflag:s20] =	ssyncadd.s32 @!p0 $0xFFFFFF80  }
0x31: {  	[tilespmem:s17], [sflag:$0x1] =	stream.indirect.gather @!p0 [hbm4b:s1+s16], $0x80, s18, s16, $0xb8;
	[tilespmem:$0x8100] =	vst v63  }
0x32: {  	s21 =	simm.s32 @!p0 $0x1;
	s19 =	simm.s32 @!p0 $0x4100  }
0x33: {  	[tilespmem:s19], [sflag:$0x2] =	stream.indirect.gather @!p0 [hbm4b:s4+s16], $0x80, s16, s16, $0xb8;
	[tilespmem:$0x8100] =	vst v63  }
0x34: {  	_ =	swait.ge @!p0 [sflag:s21], $0x4000  }
0x35: {  	[sflag:s21] =	ssyncset.done @!p0 $0x0  }
0x36: {  	s16 =	simm.s32 @!p0 $0x2;
	[sflag:s21] =	ssyncadd.s32 @!p0 $0xFFFFC000  }
0x37: {  	_ =	swait.ge @!p0 [sflag:s16], $0x4000  }
0x38: {  	[sflag:s16] =	ssyncset.done @!p0 $0x0  }
0x39: {  	[sflag:s16] =	ssyncadd.s32 @!p0 $0xFFFFC000  }
0x3a: {  	[hbm4b:s11+s18] =	stream.linear.scatter @!p0 [tilespmem:s17], [sflag:$0x4], $0x4000, $0x38;
	[tilespmem:$0x8100] =	vst v63  }
.Ltmp0:
0x3b: {  	_ =	swait.ge @!p0 [sflag:s20], $0x4000;
	(pc) =	sbr.rel @p1 .LBB2_2-.Ltmp0, $4  }
0x3c: {  	s11 =	sadd.s32 $0x10000, s11;
	[sflag:s20] =	ssyncset.done @!p0 $0x0  }
0x3d: {  	s15 =	sadd.s32 $0x20, s15;
	s16 =	simm.s32 @!p0 $0x3;
	[sflag:s20] =	ssyncadd.s32 @!p0 $0xFFFFC000  }
0x3e: {  	[hbm4b:s12+s18] =	stream.linear.scatter @!p0 [tilespmem:s19], [sflag:$0x3], $0x4000, $0x38;
	[tilespmem:$0x8100] =	vst v63  }
0x3f: {  	p2 =	sgt.u32 s15, $0x9C3;
	s12 =	sadd.s32 $0x10000, s12;
	_ =	swait.ge @!p0 [sflag:s16], $0x4000  }
0x40: {  	s14 =	sadd.s32 @!p2 s13, s8;
	[sflag:s16] =	ssyncset.done @!p0 $0x0  }
0x41: {  	s15 =	simm.s32 @!p2 $0x0;
	s17 =	simm.s32 @!p2 $0x4;
	[sflag:s16] =	ssyncadd.s32 @!p0 $0xFFFFC000  }
0x42: {  	[tilespmem:s15], [sflag:$0x4] =	stream.linear.gather @!p2 [hbm4b:s14+s15], $0x80, $0x38;
	[tilespmem:$0x8100] =	vst v63  }
0x43: {  	p0 =	por p2, p2;
	_ =	swait.ge @!p2 [sflag:s17], $0x80  }
0x44: {  	[sflag:s17] =	ssyncset.done @!p0 $0x0  }
0x45: {  	s13 =	sadd.s32 @!p0 s13, s7;
	s14 =	simm.s32 @!p0 $0x80;
	[sflag:s17] =	ssyncadd.s32 @!p0 $0xFFFFFF80  }
0x46: {  	[tilespmem:s14], [sflag:$0x4] =	stream.linear.gather @!p0 [hbm4b:s13+s15], $0x80, $0x38;
	[tilespmem:$0x8100] =	vst v63  }
0x47: {  	_ =	swait.ge @!p0 [sflag:s17], $0x80  }
0x48: {  	[sflag:s17] =	ssyncset.done @!p0 $0x0  }
0x49: {  	s13 =	simm.s32 @!p0 $0x100;
	[sflag:s17] =	ssyncadd.s32 @!p0 $0xFFFFFF80  }
0x4a: {  	[tilespmem:s13], [sflag:$0x1] =	stream.indirect.gather @!p0 [hbm4b:s1+s14], $0x80, s15, s14, $0xb8;
	[tilespmem:$0x8100] =	vst v63  }
0x4b: {  	s16 =	simm.s32 @!p0 $0x4100;
	s18 =	simm.s32 @!p0 $0x1  }
0x4c: {  	[tilespmem:s16], [sflag:$0x2] =	stream.indirect.gather @!p0 [hbm4b:s4+s14], $0x80, s14, s14, $0xb8;
	[tilespmem:$0x8100] =	vst v63  }
0x4d: {  	_ =	swait.ge @!p0 [sflag:s18], $0x4000  }
0x4e: {  	[sflag:s18] =	ssyncset.done @!p0 $0x0  }
0x4f: {  	s14 =	simm.s32 @!p0 $0x2;
	[sflag:s18] =	ssyncadd.s32 @!p0 $0xFFFFC000  }
0x50: {  	_ =	swait.ge @!p0 [sflag:s14], $0x4000  }
0x51: {  	[sflag:s14] =	ssyncset.done @!p0 $0x0  }
0x52: {  	[sflag:s14] =	ssyncadd.s32 @!p0 $0xFFFFC000  }
0x53: {  	[hbm4b:s11+s15] =	stream.linear.scatter @!p0 [tilespmem:s13], [sflag:$0x4], $0x4000, $0x38;
	[tilespmem:$0x8100] =	vst v63  }
0x54: {  	s3 =	sadd.s32 $0x1, s3;
	_ =	swait.ge @!p0 [sflag:s17], $0x4000  }
0x55: {  	p1 =	sne.s32 s3, s6;
	[sflag:s17] =	ssyncset.done @!p0 $0x0  }
.Ltmp1:
0x56: {  	s11 =	simm.s32 @!p0 $0x3;
	[sflag:s17] =	ssyncadd.s32 @!p0 $0xFFFFC000;
	(pc) =	sbr.rel @p1 .LBB2_1-.Ltmp1, $4  }
0x57: {  	[hbm4b:s12+s15] =	stream.linear.scatter @!p0 [tilespmem:s16], [sflag:$0x3], $0x4000, $0x38;
	[tilespmem:$0x8100] =	vst v63  }
0x58: {  	_ =	swait.ge @!p0 [sflag:s11], $0x4000  }
0x59: {  	[sflag:s11] =	ssyncset.done @!p0 $0x0  }
0x5a: {  	[sflag:s11] =	ssyncadd.s32 @!p0 $0xFFFFC000  }
0x5b: {  	_ =	sfence.sel $0x180000  }
0x5c: {  	[bflag:$0x0] =	sbarrier.arrive $0xFFFF  }
0x5d: {  	p0 =	sne.s32 s2, $0x0;
	_ =	strace $0x9000004D  }
0x5e: {  	s0 =	sadd.s32 @!p0 $0x100000, s0;
	[bflag:$0x2] =	sbarrier.arrive $0xFFFF  }
0x5f: {  	[sflag:s0] =	ssyncadd.tile.s32 @!p0 $0x1;
	_ =	shalt  }
.Lfunc_end2:
_tile_overlayer_lowered:
.L_overlay_start_2:
0x60: {  	(tag) =	ssettag $0x2  }
0x61: {  	s0 =	rddreg [dreg:$0x0];
	s2 =	stileid.u32  }
0x62: {  	s1 =	rddreg [dreg:$0x1];
	p0 =	sne.s32 s2, $0x0  }
0x63: {  	s3 =	rddreg [dreg:$0x2];
	[bflag:$0x3] =	sbarrier.arrive $0xFFFF;
	s2 =	simm.s32 @!p0 $0x1C03  }
0x64: {  	[timem:s3], [sflag:s2] =	dma.local @!p0 [hbm:s0], s1  }
0x65: {  	s0 =	simm.s32 @!p0 $0x3  }
0x66: {  	_ =	swait.ge @!p0 [sflag:s0], s1  }
0x67: {  	s1 =	ssub.s32 @!p0 $0x0, s1;
	[sflag:s0] =	ssyncset.done @!p0 $0x0  }
0x68: {  	[sflag:s0] =	ssyncadd.s32 @!p0 s1  }
0x69: {  	[bflag:$0x3] =	sbarrier.arrive $0xFFFF  }
0x6a: {  	_ =	shalt  }

// kernel: kernel.20.cloned.1.call-start
scs
__scs_entry_jumppad:
0x0: {  	(pc) =	sbr.rel $0x88, $3  }
0x1: {  	(tag) =	ssettag $0x0;
	lr =	simm.s32 $0x1  }
0x2: {  	[smem:$0x3F97] =	sst lr;
	_ =	strace $0xD0000000  }
0x3: {  	_ = 	snop  }
0x4: {  	_ = 	snop  }
0x5: {  	_ = 	snop  }
0x6: {  	_ = 	snop  }
0x7: {  	_ = 	snop  }
__scs_overlays_trampoline_lowered:
0x8: {  	[smem:$0x3FA6] =	sst s0  }
0x9: {  	[smem:$0x3FA7] =	sst s1  }
0xa: {  	[smem:$0x3FA8] =	sst s2  }
0xb: {  	[smem:$0x3FA9] =	sst s3  }
0xc: {  	[smem:$0x3FAA] =	sst s4  }
0xd: {  	[smem:$0x3FAB] =	sst s5  }
0xe: {  	[smem:$0x3FAC] =	sst s6  }
0xf: {  	[smem:$0x3FAD] =	sst s7  }
0x10: {  	[smem:$0x3FAE] =	sst s8  }
0x11: {  	[smem:$0x3FAF] =	sst s9;
	s0 =	simm.s32 @!p0 $0x0  }
0x12: {  	s1 =	sld [smem:$0x3F95];
	s0 =	simm.s32 @p0 $0x1  }
0x13: {  	[smem:$0x3FB0] =	sst s0;
	s0 =	simm.s32 @!p1 $0x0  }
0x14: {  	s2 =	sld [smem:$0x3F94];
	s0 =	simm.s32 @p1 $0x1  }
0x15: {  	[smem:$0x3FB1] =	sst s0;
	s0 =	simm.s32 @!p2 $0x0  }
0x16: {  	s3 =	sld [smem:$0x3FDB];
	s0 =	simm.s32 @p2 $0x1  }
0x17: {  	s4 =	simm.s32 $0x1BF5;
	[smem:$0x3FB3] =	sst s0  }
0x18: {  	s0 =	sld [smem:$0x3F96];
	_ =	swait.ge [sflag:s4], $0x0  }
0x19: {  	s7 =	sld [smem:$0x3F97]  }
0x1a: {  	s8 =	sadd.s32 $0xFFFFE003, lr  }
0x1b: {  	s9 =	sadd.s32 $0xFFFFFEF7, lr;
	s5 =	simm.s32 $0xFFFFFFFF;
	p2 =	slt.u32 s8, $0xFFFFF086  }
0x1c: {  	p1 =	slt.u32 s9, $0xF7A;
	s5 =	simm.s32 @!p2 $0x0  }
0x1d: {  	s5 =	simm.s32 @p1 $0x1;
	p0 =	seq.s32 s7, s2  }
0x1e: {  	s7 =	smul.u32 @!p0 $0xF7A, s2;
	p2 =	seq.s32 @!p0 s5, $0x0  }
0x1f: {  	s9 =	smul.u32 $0xF7A, s1;
	s8 =	simm.s32 @!p0 $0x1BF5;
	p2 =	por !p2, p0  }
0x20: {  	[sflag:s8] =	ssyncset.s32 @!p0 $0xFFFFF086;
	s6 =	sadd.s32 @!p0 s3, s7;
	s7 =	simm.s32 @!p0 $0x108  }
0x21: {  	s3 =	sadd.s32 s3, s9;
	s6 =	sadd.s32 @!p0 $0x88, s6;
	s7 =	simm.s32 @p2 $0x1082  }
0x22: {  	[simem:s7], [sflag:s8] =	dma.local @!p0 [hbm:s6], $0xF7A  }
0x23: {  	s9 =	sor.u32 $0xD0000000, s2;
	s6 =	simm.s32 $0x108;
	_ =	swait.ge @!p0 [sflag:s8], $0x0  }
0x24: {  	s3 =	sadd.s32 $0x88, s3;
	s6 =	simm.s32 @!p1 $0x1082;
	[sflag:s4] =	ssyncset.s32 $0xFFFFF086  }
0x25: {  	[simem:s6], [sflag:s4] =	dma.local [hbm:s3], $0xF7A  }
0x26: {  	[smem:$0x3F97] =	sst s1;
	(tag) =	ssettag s2;
	_ =	strace s9  }
0x27: {  	s1 =	sld [smem:$0x3FA7]  }
0x28: {  	s2 =	sld [smem:$0x3FA8]  }
0x29: {  	s4 =	sld [smem:$0x3FAA]  }
0x2a: {  	p0 =	seq.s32 s5, $0x0;
	s5 =	sld [smem:$0x3FAB]  }
0x2b: {  	s6 =	sld [smem:$0x3FAC]  }
0x2c: {  	s7 =	sld [smem:$0x3FAD]  }
0x2d: {  	s3 =	simm.s32 $0x108;
	s8 =	sld [smem:$0x3FAE]  }
0x2e: {  	s3 =	simm.s32 @!p0 $0x1082;
	s9 =	sld [smem:$0x3FAF]  }
0x2f: {  	lr =	sadd.s32 s0, s3;
	s0 =	sld [smem:$0x3FA6]  }
0x30: {  	s3 =	sld [smem:$0x3FA9]  }
0x31: {  	[smem:$0x3FB2] =	sst s10  }
0x32: {  	s10 =	sld [smem:$0x3FB0];
	_ =	sdelay $0x3  }
0x33: {  	p0 =	seq.s32 s10, $0x1;
	s10 =	sld [smem:$0x3FB2];
	_ =	sdelay $0x3  }
0x34: {  	[smem:$0x3FB2] =	sst s10  }
0x35: {  	s10 =	sld [smem:$0x3FB1];
	_ =	sdelay $0x3  }
0x36: {  	p1 =	seq.s32 s10, $0x1;
	s10 =	sld [smem:$0x3FB2];
	_ =	sdelay $0x3  }
0x37: {  	[smem:$0x3FB2] =	sst s10  }
0x38: {  	s10 =	sld [smem:$0x3FB3]  }
0x39: {  	_ = 	snop;
	(pc) =	sbr.ind lr, $3  }
0x3a: {  	_ = 	snop  }
0x3b: {  	_ = 	snop  }
0x3c: {  	p2 =	seq.s32 s10, $0x1;
	s10 =	sld [smem:$0x3FB2]  }
0x3d: {  	_ =	shalt  }
0x3e: {  	_ =	shalt  }
0x3f: {  	_ =	shalt  }
0x40: {  	_ =	shalt  }
0x41: {  	_ =	shalt  }
0x42: {  	_ =	shalt  }
0x43: {  	_ =	shalt  }
0x44: {  	_ =	shalt  }
0x45: {  	_ =	shalt  }
0x46: {  	_ =	shalt  }
0x47: {  	_ =	shalt  }
0x48: {  	_ =	shalt  }
0x49: {  	_ =	shalt  }
0x4a: {  	_ =	shalt  }
0x4b: {  	_ =	shalt  }
0x4c: {  	_ =	shalt  }
0x4d: {  	_ =	shalt  }
0x4e: {  	_ =	shalt  }
0x4f: {  	_ =	shalt  }
0x50: {  	_ =	shalt  }
0x51: {  	_ =	shalt  }
0x52: {  	_ =	shalt  }
0x53: {  	_ =	shalt  }
0x54: {  	_ =	shalt  }
0x55: {  	_ =	shalt  }
0x56: {  	_ =	shalt  }
0x57: {  	_ =	shalt  }
0x58: {  	_ =	shalt  }
0x59: {  	_ =	shalt  }
0x5a: {  	_ =	shalt  }
0x5b: {  	_ =	shalt  }
0x5c: {  	_ =	shalt  }
0x5d: {  	_ =	shalt  }
0x5e: {  	_ =	shalt  }
0x5f: {  	_ =	shalt  }
0x60: {  	_ =	shalt  }
0x61: {  	_ =	shalt  }
0x62: {  	_ =	shalt  }
0x63: {  	_ =	shalt  }
0x64: {  	_ =	shalt  }
0x65: {  	_ =	shalt  }
0x66: {  	_ =	shalt  }
0x67: {  	_ =	shalt  }
0x68: {  	_ =	shalt  }
0x69: {  	_ =	shalt  }
0x6a: {  	_ =	shalt  }
0x6b: {  	_ =	shalt  }
0x6c: {  	_ =	shalt  }
0x6d: {  	_ =	shalt  }
0x6e: {  	_ =	shalt  }
0x6f: {  	_ =	shalt  }
0x70: {  	_ =	shalt  }
0x71: {  	_ =	shalt  }
0x72: {  	_ =	shalt  }
0x73: {  	_ =	shalt  }
0x74: {  	_ =	shalt  }
0x75: {  	_ =	shalt  }
0x76: {  	_ =	shalt  }
0x77: {  	_ =	shalt  }
0x78: {  	_ =	shalt  }
0x79: {  	_ =	shalt  }
0x7a: {  	_ =	shalt  }
0x7b: {  	_ =	shalt  }
0x7c: {  	_ =	shalt  }
0x7d: {  	_ =	shalt  }
0x7e: {  	_ =	shalt  }
0x7f: {  	_ =	shalt  }
0x80: {  	_ =	shalt  }
0x81: {  	_ =	shalt  }
0x82: {  	_ =	shalt  }
0x83: {  	_ =	shalt  }
0x84: {  	_ =	shalt  }
0x85: {  	_ =	shalt  }
0x86: {  	_ =	shalt  }
0x87: {  	_ =	shalt  }
.Lfunc_end0:
.L_simem_size_0:
called_computation.3_lowered:
.L_overlay_start_0:
0x88: {  	s2 =	sld [smem:$0x3FD9]  }
0x89: {  	s3 =	sld [smem:$0x3FFE];
	_ =	sdelay $0x1  }
0x8a: {  	s1 =	srdreg.scid  }
0x8b: {  	s0 =	sand.u32 $0x1, s1  }
0x8c: {  	s16 =	sshll.u32 s0, $0xA;
	s2 =	sadd.s32 s3, s2  }
0x8d: {  	s2 =	sadd.s32 s2, s16  }
0x8e: {  	[smem:$0x3FBE] =	sst s2  }
0x8f: {  	_ = 	snop  }
0x90: {  	(tm) =	ssettm $0x1  }
0x91: {  	s17 =	sld [smem:$0x3FFB];
	_ =	sdelay $0x3  }
0x92: {  	_ =	strace s17  }
0x93: {  	s2 =	sld [smem:$0x3FFC];
	_ =	sdelay $0x3  }
0x94: {  	_ =	strace s2  }
0x95: {  	s2 =	sld [smem:$0x3FFD];
	_ =	sdelay $0x3  }
0x96: {  	_ =	strace s2  }
0x97: {  	_ =	strace $0x8FFFFFFF  }
0x98: {  	s18 =	sld [smem:$0x3FDB];
	_ =	sdelay $0x1  }
0x99: {  	s19 =	simm.s32 $_scs_section_size  }
0x9a: {  	s4 =	simm.s32 $_size__tile_overlayer_lowered;
	s5 =	simm.s32 $_tile_overlayer_lowered  }
0x9b: {  	s22 =	simm.s32 $0x1BFF;
	s21 =	sshll.u32 s5, $0x1;
	s2 =	sadd.s32 s19, s18  }
0x9c: {  	s6 =	simm.s32 $0x0;
	s20 =	sshll.u32 s4, $0x1;
	s4 =	sadd.s32 s21, s2  }
0x9d: {  	[timem:s6], [sflag:s22] =	dma.local [hbm:s4], s20  }
0x9e: {  	_ =	swait.ge [sflag:s22], s20  }
0x9f: {  	s3 =	ssub.s32 $0x0, s20;
	[sflag:s22] =	ssyncset.done $0x0  }
0xa0: {  	[sflag:s22] =	ssyncadd.s32 s3;
	_ =	sdelay $0x1  }
0xa1: {  	s23 =	simm.s32 $0x1B8B  }
0xa2: {  	_ =	swait.ge [sflag:s23], $0x1  }
0xa3: {  	[sflag:s23] =	ssyncset.done $0x0  }
0xa4: {  	s25 =	simm.s32 $0x1B8E;
	s24 =	sld [smem:$0x3FFE];
	[sflag:s23] =	ssyncadd.s32 $0xFFFFFFFF  }
0xa5: {  	s26 =	simm.s32 $execute0_lowered;
	[smem:$0x3FD2] =	sst s25  }
0xa6: {  	s4 =	sshll.u32 s26, $0x1;
	_ =	strace $0x8000004F;
	[dreg:$0x1] =	wrdreg $0xFFFFFFFF  }
0xa7: {  	s28 =	simm.s32 $_size_execute0_lowered;
	s2 =	sadd.s32 s2, s4;
	[dreg:$0x0] =	wrdreg $0x0  }
0xa8: {  	s4 =	sshll.u32 s28, $0x1;
	[dreg:$0x2] =	wrdreg s2  }
0xa9: {  	[dreg:$0x3] =	wrdreg s4  }
0xaa: {  	[dreg:$0x4] =	wrdreg $0xC0  }
0xab: {  	_ =	task [dreg:s6], $0x5FFFF  }
0xac: {  	[dreg:$0x1] =	wrdreg $0xFFFFFFFF  }
0xad: {  	[dreg:$0x0] =	wrdreg $0x60  }
0xae: {  	[dreg:$0x2] =	wrdreg s24  }
0xaf: {  	[dreg:$0x3] =	wrdreg $0x40800  }
0xb0: {  	[dreg:$0x4] =	wrdreg $0x9  }
0xb1: {  	_ =	task.clear_ibuf [dreg:s6], $0x5FFFF;
	_ =	strace $0x9000004F  }
0xb2: {  	s29 =	simm.s32 $0x9;
	_ =	strace $0x80000051  }
0xb3: {  	_ =	swait.ge [sflag:s29], $0x1  }
0xb4: {  	[sflag:s29] =	ssyncadd.s32 $0xFFFFFFFF  }
0xb5: {  	_ =	strace $0x90000051  }
0xb6: {  	_ =	sfence  }
0xb7: {  	s30 =	sld [smem:$0x0];
	_ =	sdelay $0x2  }
0xb8: {  	s31 =	sshll.u32 s1, $0xD;
	s1 =	sshrl.u32 s1, $0x2  }
0xb9: {  	s3 =	sand.u32 $0x4000, s31;
	s1 =	sadd.s32 s1, s30  }
0xba: {  	s0 =	sor.u32 s3, s0;
	s1 =	sshll.u32 s1, $0x11  }
0xbb: {  	s0 =	sor.u32 s1, s0  }
0xbc: {  	s0 =	sadd.s32 $0x8F2B, s0  }
0xbd: {  	[sflag:s0] =	ssyncadd.remote.s32 $0x1  }
0xbe: {  	_ =	sfence.sel $0xFFFF  }
0xbf: {  	[dreg:$0x0] =	wrdreg $0xFFFFFFFF;
	(pc) =	sbr.abs _section_cstart, $3  }
0xc0: {  	[dreg:$0x1] =	wrdreg $0xFFFFFFFF  }
0xc1: {  	_ =	task.clear_ibuf [dreg:s6], $0x2FFFF;
	_ =	strace $0x9FFFFFFF  }
0xc2: {  	(tm) =	ssettm $0x7FFFFFFF  }
0xc3: {  	_ =	shalt  }
tec
execute0_lowered:
.L_overlay_start_1:
0x0: {  	(tag) =	ssettag $0x1  }
0x1: {  	s9 =	rddreg [dreg:$0x0]  }
0x2: {  	s1 =	rddreg [dreg:$0x1]  }
0x3: {  	s0 =	rddreg [dreg:$0x2];
	s2 =	simm.s32 $0x0;
	s3 =	stileid.u32  }
0x4: {  	s29 =	srdreg.scid;
	s17 =	simm.s32 $0x1;
	[smem:$0x7FF] =	sst s2  }
0x5: {  	s4 =	sshll.u32 s3, $0xB;
	s5 =	sshll.u32 s3, $0x4;
	s11 =	smul.u32 $0x2700, s3  }
0x6: {  	s19 =	sand.u32 $0x1, s29;
	s7 =	smul.u32 $0x4E000, s3;
	s31 =	sshll.u32 s3, $0x6  }
0x7: {  	p0 =	sne.s32 s3, $0x0;
	p2 =	seq.s32 s3, $0x0;
	_ =	strace $0x80000050  }
0x8: {  	s14 =	sadd.s32 s4, s9;
	s15 =	sadd.s32 s5, s9;
	s6 =	ssub.s32 $0x2, s19  }
0x9: {  	s4 =	sadd.s32 $0x43200, s9;
	s5 =	sadd.s32 $0x6A400, s9;
	p1 =	sne.s32 s19, $0x0  }
0xa: {  	s8 =	sadd.s32 s11, s9;
	s10 =	sshrl.u32 s6, $0x1;
	s30 =	sshrl.u32 s7, $0x2  }
.Ltmp0:
0xb: {  	s7 =	sor.u32 $0x1C01, s31;
	s9 =	sadd.s32 $0x43000, s9;
	(pc) =	sbr.rel .LBB2_1-.Ltmp0, $4  }
0xc: {  	s13 =	sadd.s32 $0x8400, s15;
	s14 =	sadd.s32 $0xEE9200, s14;
	s15 =	sadd.s32 $0x12200, s15  }
0xd: {  	s12 =	ssub.s32 s6, s10;
	s16 =	sadd.s32 s30, s1;
	s6 =	sadd.s32 $0x1C000, s8  }
0xe: {  	s8 =	sadd.s32 $0x138000, s1;
	s10 =	sadd.s32 s5, s11;
	s11 =	sadd.s32 s4, s11  }
0xf: {  	s12 =	smax.u32 s12, $0x1;
	s16 =	sshrl.u32 s16, $0x3;
	s18 =	sshrl.u32 @!p0 s8, $0x3  }
.LBB2_8:
0x10: {  	s19 =	sadd.s32 $0x27000, s19;
	s20 =	sshrl.u32 s8, $0x3  }
0x11: {  	[hbm:s19], [sflag:s7] =	dma.local [spmem:s20], $0x100  }
0x12: {  	_ =	swait.ge [sflag:s17], $0x100  }
0x13: {  	[sflag:s17] =	ssyncset.done $0x0  }
0x14: {  	[sflag:s17] =	ssyncadd.s32 $0xFFFFFF00  }
.LBB2_9:
0x15: {  	s2 =	sadd.s32 $0x1, s2  }
0x16: {  	p3 =	sne.s32 s2, s12  }
.Ltmp1:
0x17: {  	_ = 	snop;
	(pc) =	sbr.rel @!p3 .LBB2_10-.Ltmp1, $1  }
0x18: {  	_ =	sdelay $0x3  }
.LBB2_1:
0x19: {  	[spmem:s16], [sflag:s7] =	dma.local [hbm:s6], $0x2700  }
0x1a: {  	_ =	swait.ge [sflag:s17], $0x2700  }
0x1b: {  	[sflag:s17] =	ssyncset.done $0x0  }
0x1c: {  	s19 =	simm.s32 @!p0 $0x1;
	[sflag:s17] =	ssyncadd.s32 $0xFFFFD900  }
0x1d: {  	[spmem:s18], [sflag:s7] =	dma.local @!p0 [hbm:s9], $0x100  }
.Ltmp2:
0x1e: {  	_ =	swait.ge @!p0 [sflag:s19], $0x100;
	(pc) =	sbr.rel @p1 .LBB2_5-.Ltmp2, $4  }
0x1f: {  	[sflag:s19] =	ssyncset.done @!p0 $0x0  }
0x20: {  	[sflag:s19] =	ssyncadd.s32 @!p0 $0xFFFFFF00  }
0x21: {  	s31 =	sadd.s32 $0x0, s3;
	[bflag:$0x0] =	sbarrier.arrive $0xFFFF  }
0x22: {  	p3 =	sgt.u32 s31, $0x9C3  }
0x23: {  	s19 =	simm.s32 @!p3 $0x0;
	s21 =	simm.s32 @!p3 $0x2  }
0x24: {  	[tilespmem:s19], [sflag:$0x2] =	stream.linear.gather @!p3 [hbm4b:s15+s19], $0x80, $0x38;
	[tilespmem:$0x17900] =	vst v63  }
0x25: {  	_ =	swait.ge @!p3 [sflag:s21], $0x80  }
0x26: {  	[sflag:s21] =	ssyncset.done @!p3 $0x0;
	p3 =	por p3, p3  }
0x27: {  	[sflag:s21] =	ssyncadd.s32 @!p3 $0xFFFFFF80;
	s23 =	simm.s32 @!p3 $0x80  }
0x28: {  	[tilespmem:s23], [sflag:$0x2] =	stream.linear.gather @!p3 [hbm4b:s14+s19], $0x4000, $0x38;
	[tilespmem:$0x17900] =	vst v63  }
0x29: {  	_ =	swait.ge @!p3 [sflag:s21], $0x4000  }
0x2a: {  	[sflag:s21] =	ssyncset.done @!p3 $0x0  }
0x2b: {  	s31 =	sadd.s32 $0x10, s3;
	s22 =	simm.s32 @!p3 $0x1;
	[sflag:s21] =	ssyncadd.s32 @!p3 $0xFFFFC000  }
0x2c: {  	[spmem:s1] =	stream.indirect.scatter.add.f32 @!p3 [tilespmem:s23], [sflag:$0x1], $0x80, s19, s23, $0xb8;
	[tilespmem:$0x17900] =	vst v63  }
0x2d: {  	s20 =	simm.s32 $0x20;
	p4 =	sgt.u32 s31, $0x9C3;
	_ =	swait.ge @!p3 [sflag:s22], $0x4000  }
0x2e: {  	s21 =	sadd.s32 $0x100, s15;
	s19 =	sadd.s32 $0x8000, s14;
	[sflag:s22] =	ssyncset.done @!p3 $0x0  }
.LBB2_3:
0x2f: {  	s23 =	simm.s32 @!p4 $0x0;
	s24 =	simm.s32 @!p4 $0x2;
	[sflag:s22] =	ssyncadd.s32 @!p3 $0xFFFFC000  }
0x30: {  	[tilespmem:s23], [sflag:$0x2] =	stream.linear.gather @!p4 [hbm4b:s21+s23], $0x80, $0x38;
	[tilespmem:$0x17900] =	vst v63  }
0x31: {  	s25 =	smov.u32 s20;
	s20 =	sadd.s32 $0x10, s20;
	_ =	swait.ge @!p4 [sflag:s24], $0x80  }
0x32: {  	p3 =	por p4, p4;
	p5 =	sne.s32 s20, $0x9D0;
	[sflag:s24] =	ssyncset.done @!p4 $0x0  }
0x33: {  	s26 =	simm.s32 @!p3 $0x80;
	[sflag:s24] =	ssyncadd.s32 @!p3 $0xFFFFFF80  }
0x34: {  	[tilespmem:s26], [sflag:$0x2] =	stream.linear.gather @!p3 [hbm4b:s19+s23], $0x4000, $0x38;
	[tilespmem:$0x17900] =	vst v63  }
0x35: {  	_ =	swait.ge @!p3 [sflag:s24], $0x4000  }
.Ltmp3:
0x36: {  	[sflag:s24] =	ssyncset.done @!p3 $0x0;
	(pc) =	sbr.rel @p5 .LBB2_3-.Ltmp3, $4  }
0x37: {  	s22 =	simm.s32 @!p3 $0x1;
	[sflag:s24] =	ssyncadd.s32 @!p3 $0xFFFFC000  }
0x38: {  	[spmem:s1] =	stream.indirect.scatter.add.f32 @!p3 [tilespmem:s26], [sflag:$0x1], $0x80, s23, s26, $0xb8;
	[tilespmem:$0x17900] =	vst v63  }
0x39: {  	s19 =	sadd.s32 $0x8000, s19;
	s23 =	sadd.s32 s25, s3;
	_ =	swait.ge @!p3 [sflag:s22], $0x4000  }
0x3a: {  	s21 =	sadd.s32 $0x100, s21;
	p4 =	sgt.u32 s23, $0x9C3;
	[sflag:s22] =	ssyncset.done @!p3 $0x0  }
0x3b: {  	s20 =	simm.s32 @!p4 $0x0;
	s23 =	simm.s32 @!p4 $0x2;
	[sflag:s22] =	ssyncadd.s32 @!p3 $0xFFFFC000  }
0x3c: {  	[tilespmem:s20], [sflag:$0x2] =	stream.linear.gather @!p4 [hbm4b:s21+s20], $0x80, $0x38;
	[tilespmem:$0x17900] =	vst v63  }
0x3d: {  	_ =	swait.ge @!p4 [sflag:s23], $0x80  }
0x3e: {  	p3 =	por p4, p4;
	[sflag:s23] =	ssyncset.done @!p4 $0x0  }
0x3f: {  	s21 =	simm.s32 @!p3 $0x80;
	[sflag:s23] =	ssyncadd.s32 @!p3 $0xFFFFFF80  }
0x40: {  	[tilespmem:s21], [sflag:$0x2] =	stream.linear.gather @!p3 [hbm4b:s19+s20], $0x4000, $0x38;
	[tilespmem:$0x17900] =	vst v63  }
0x41: {  	_ =	swait.ge @!p3 [sflag:s23], $0x4000  }
0x42: {  	[sflag:s23] =	ssyncset.done @!p3 $0x0  }
0x43: {  	s19 =	simm.s32 @!p3 $0x1;
	[sflag:s23] =	ssyncadd.s32 @!p3 $0xFFFFC000  }
0x44: {  	[spmem:s1] =	stream.indirect.scatter.add.f32 @!p3 [tilespmem:s21], [sflag:$0x1], $0x80, s20, s21, $0xb8;
	[tilespmem:$0x17900] =	vst v63  }
0x45: {  	_ =	swait.ge @!p3 [sflag:s19], $0x4000  }
0x46: {  	[sflag:s19] =	ssyncset.done @!p3 $0x0  }
0x47: {  	[sflag:s19] =	ssyncadd.s32 @!p3 $0xFFFFC000  }
0x48: {  	[bflag:$0x0] =	sbarrier.arrive $0xFFFF  }
0x49: {  	[hbm:s11], [sflag:s7] =	dma.local [spmem:s16], $0x2700  }
.Ltmp4:
0x4a: {  	_ = 	snop;
	(pc) =	sbr.rel @!p2 .LBB2_9-.Ltmp4, $4  }
.Ltmp5:
0x4b: {  	_ = 	snop;
	(pc) =	sbr.rel @p2 .LBB2_8-.Ltmp5, $4  }
0x4c: {  	_ =	swait.ge [sflag:s17], $0x2700  }
0x4d: {  	[sflag:s17] =	ssyncset.done $0x0  }
0x4e: {  	s19 =	smov.u32 s4;
	[sflag:s17] =	ssyncadd.s32 $0xFFFFD900  }
0x4f: {  	_ = 	snop  }
.LBB2_5:
0x50: {  	s19 =	simm.s32 @!p3 $0x0;
	s21 =	simm.s32 @!p3 $0x2  }
0x51: {  	[tilespmem:s19], [sflag:$0x2] =	stream.linear.gather @!p3 [hbm4b:s13+s19], $0x80, $0x38;
	[tilespmem:$0x17900] =	vst v63  }
0x52: {  	_ =	swait.ge @!p3 [sflag:s21], $0x80  }
0x53: {  	[sflag:s21] =	ssyncset.done @!p3 $0x0;
	p3 =	por p3, p3  }
0x54: {  	[sflag:s21] =	ssyncadd.s32 @!p3 $0xFFFFFF80;
	s23 =	simm.s32 @!p3 $0x80  }
0x55: {  	[tilespmem:s23], [sflag:$0x2] =	stream.linear.gather @!p3 [hbm4b:s14+s19], $0x4000, $0x38;
	[tilespmem:$0x17900] =	vst v63  }
0x56: {  	_ =	swait.ge @!p3 [sflag:s21], $0x4000  }
0x57: {  	[sflag:s21] =	ssyncset.done @!p3 $0x0  }
0x58: {  	s31 =	sadd.s32 $0x10, s3;
	s22 =	simm.s32 @!p3 $0x1;
	[sflag:s21] =	ssyncadd.s32 @!p3 $0xFFFFC000  }
0x59: {  	[spmem:s1] =	stream.indirect.scatter.add.f32 @!p3 [tilespmem:s23], [sflag:$0x1], $0x80, s19, s23, $0xb8;
	[tilespmem:$0x17900] =	vst v63  }
0x5a: {  	s20 =	simm.s32 $0x20;
	p4 =	sgt.u32 s31, $0x9C3;
	_ =	swait.ge @!p3 [sflag:s22], $0x4000  }
0x5b: {  	s21 =	sadd.s32 $0x100, s13;
	s19 =	sadd.s32 $0x8000, s14;
	[sflag:s22] =	ssyncset.done @!p3 $0x0  }
.LBB2_6:
0x5c: {  	s23 =	simm.s32 @!p4 $0x0;
	s24 =	simm.s32 @!p4 $0x2;
	[sflag:s22] =	ssyncadd.s32 @!p3 $0xFFFFC000  }
0x5d: {  	[tilespmem:s23], [sflag:$0x2] =	stream.linear.gather @!p4 [hbm4b:s21+s23], $0x80, $0x38;
	[tilespmem:$0x17900] =	vst v63  }
0x5e: {  	s25 =	smov.u32 s20;
	s20 =	sadd.s32 $0x10, s20;
	_ =	swait.ge @!p4 [sflag:s24], $0x80  }
0x5f: {  	p3 =	por p4, p4;
	p5 =	sne.s32 s20, $0x9D0;
	[sflag:s24] =	ssyncset.done @!p4 $0x0  }
0x60: {  	s26 =	simm.s32 @!p3 $0x80;
	[sflag:s24] =	ssyncadd.s32 @!p3 $0xFFFFFF80  }
0x61: {  	[tilespmem:s26], [sflag:$0x2] =	stream.linear.gather @!p3 [hbm4b:s19+s23], $0x4000, $0x38;
	[tilespmem:$0x17900] =	vst v63  }
0x62: {  	_ =	swait.ge @!p3 [sflag:s24], $0x4000  }
.Ltmp6:
0x63: {  	[sflag:s24] =	ssyncset.done @!p3 $0x0;
	(pc) =	sbr.rel @p5 .LBB2_6-.Ltmp6, $4  }
0x64: {  	s22 =	simm.s32 @!p3 $0x1;
	[sflag:s24] =	ssyncadd.s32 @!p3 $0xFFFFC000  }
0x65: {  	[spmem:s1] =	stream.indirect.scatter.add.f32 @!p3 [tilespmem:s26], [sflag:$0x1], $0x80, s23, s26, $0xb8;
	[tilespmem:$0x17900] =	vst v63  }
0x66: {  	s19 =	sadd.s32 $0x8000, s19;
	s23 =	sadd.s32 s25, s3;
	_ =	swait.ge @!p3 [sflag:s22], $0x4000  }
0x67: {  	s21 =	sadd.s32 $0x100, s21;
	p4 =	sgt.u32 s23, $0x9C3;
	[sflag:s22] =	ssyncset.done @!p3 $0x0  }
0x68: {  	s20 =	simm.s32 @!p4 $0x0;
	s23 =	simm.s32 @!p4 $0x2;
	[sflag:s22] =	ssyncadd.s32 @!p3 $0xFFFFC000  }
0x69: {  	[tilespmem:s20], [sflag:$0x2] =	stream.linear.gather @!p4 [hbm4b:s21+s20], $0x80, $0x38;
	[tilespmem:$0x17900] =	vst v63  }
0x6a: {  	_ =	swait.ge @!p4 [sflag:s23], $0x80  }
0x6b: {  	p3 =	por p4, p4;
	[sflag:s23] =	ssyncset.done @!p4 $0x0  }
0x6c: {  	s21 =	simm.s32 @!p3 $0x80;
	[sflag:s23] =	ssyncadd.s32 @!p3 $0xFFFFFF80  }
0x6d: {  	[tilespmem:s21], [sflag:$0x2] =	stream.linear.gather @!p3 [hbm4b:s19+s20], $0x4000, $0x38;
	[tilespmem:$0x17900] =	vst v63  }
0x6e: {  	_ =	swait.ge @!p3 [sflag:s23], $0x4000  }
0x6f: {  	[sflag:s23] =	ssyncset.done @!p3 $0x0  }
0x70: {  	s19 =	simm.s32 @!p3 $0x1;
	[sflag:s23] =	ssyncadd.s32 @!p3 $0xFFFFC000  }
0x71: {  	[spmem:s1] =	stream.indirect.scatter.add.f32 @!p3 [tilespmem:s21], [sflag:$0x1], $0x80, s20, s21, $0xb8;
	[tilespmem:$0x17900] =	vst v63  }
0x72: {  	_ =	swait.ge @!p3 [sflag:s19], $0x4000  }
0x73: {  	[sflag:s19] =	ssyncset.done @!p3 $0x0  }
0x74: {  	[sflag:s19] =	ssyncadd.s32 @!p3 $0xFFFFC000  }
0x75: {  	[bflag:$0x0] =	sbarrier.arrive $0xFFFF  }
0x76: {  	[hbm:s10], [sflag:s7] =	dma.local [spmem:s16], $0x2700  }
.Ltmp7:
0x77: {  	_ = 	snop;
	(pc) =	sbr.rel @p0 .LBB2_9-.Ltmp7, $4  }
.Ltmp8:
0x78: {  	_ = 	snop;
	(pc) =	sbr.rel @!p0 .LBB2_8-.Ltmp8, $4  }
0x79: {  	_ =	swait.ge [sflag:s17], $0x2700  }
0x7a: {  	[sflag:s17] =	ssyncset.done $0x0  }
0x7b: {  	s19 =	smov.u32 s5;
	[sflag:s17] =	ssyncadd.s32 $0xFFFFD900  }
0x7c: {  	_ = 	snop  }
.LBB2_10:
0x7d: {  	_ =	sfence.sel $0x180000  }
0x7e: {  	[bflag:$0x0] =	sbarrier.arrive $0xFFFF  }
0x7f: {  	_ =	strace $0x90000050  }
0x80: {  	s0 =	sadd.s32 @!p0 $0x100000, s0;
	[bflag:$0x2] =	sbarrier.arrive $0xFFFF  }
0x81: {  	[sflag:s0] =	ssyncadd.tile.s32 @!p0 $0x1;
	_ =	shalt  }
.Lfunc_end2:
_tile_overlayer_lowered:
.L_overlay_start_2:
0x82: {  	(tag) =	ssettag $0x2  }
0x83: {  	s0 =	rddreg [dreg:$0x0];
	s2 =	stileid.u32  }
0x84: {  	s1 =	rddreg [dreg:$0x1];
	p0 =	sne.s32 s2, $0x0  }
0x85: {  	s3 =	rddreg [dreg:$0x2];
	[bflag:$0x3] =	sbarrier.arrive $0xFFFF;
	s2 =	simm.s32 @!p0 $0x1C01  }
0x86: {  	[timem:s3], [sflag:s2] =	dma.local @!p0 [hbm:s0], s1  }
0x87: {  	s0 =	simm.s32 @!p0 $0x1  }
0x88: {  	_ =	swait.ge @!p0 [sflag:s0], s1  }
0x89: {  	s1 =	ssub.s32 @!p0 $0x0, s1;
	[sflag:s0] =	ssyncset.done @!p0 $0x0  }
0x8a: {  	[sflag:s0] =	ssyncadd.s32 @!p0 s1  }
0x8b: {  	[bflag:$0x3] =	sbarrier.arrive $0xFFFF  }
0x8c: {  	_ =	shalt  }

</sc_bundles>
